<compile_context>
chip_gen: v7x
topology: tpu7x:2x2x1
jax: 0.10.2.dev20260603
libtpu: 0.0.44.dev20260713+nightly
codegen_flags: <defaults>
</compile_context>

<pallas_src>
import functools

import jax
import jax.numpy as jnp
from jax import lax
from jax.experimental import pallas as pl
from jax.experimental.pallas import tpu as pltpu
from jax.experimental.pallas import tpu_sc as plsc

_ROWS, _COLS, _P, _Q, _TAU = 64, 64, 32, 10, 3
_NUM = _ROWS * _COLS * _P
_T1 = _TAU + 1
_NW = 32
_CH = _NUM // _NW
_BN = 16384
_NB = _NUM // _BN


def _sc_votes_kernel():
    mesh = plsc.VectorSubcoreMesh(core_axis_name="c", subcore_axis_name="s")

    @functools.partial(
        pl.kernel,
        out_type=jax.ShapeDtypeStruct((2, _Q, _T1, _NUM), jnp.float32),
        mesh=mesh,
        scratch_types=[
            pltpu.VMEM((_CH,), jnp.float32),
            pltpu.VMEM((_T1, _CH), jnp.float32),
            pltpu.SemaphoreType.DMA,
        ],
    )
    def sc_kern(s_hbm, votes_hbm, s_v, m_v, sem):
        cid = lax.axis_index("c")
        sid = lax.axis_index("s")
        wid = sid * 2 + cid
        base = wid * _CH
        pltpu.sync_copy(s_hbm.at[pl.ds(base, _CH)], s_v)

        def body(j, carry):
            v = s_v[pl.ds(j * 16, 16)]
            c = jnp.minimum(v, float(_TAU))
            for t in range(_T1):
                m_v[t, pl.ds(j * 16, 16)] = jnp.where(c == float(t), 1.0, 0.0)
            return carry

        lax.fori_loop(0, _CH // 16, body, 0)

        def fire(idx, carry):
            k = idx // _Q
            q = idx - k * _Q
            pltpu.make_async_copy(
                m_v, votes_hbm.at[k, q, :, pl.ds(base, _CH)], sem).start()
            return carry

        lax.fori_loop(0, 2 * _Q, fire, 0)

        def drain(idx, carry):
            k = idx // _Q
            q = idx - k * _Q
            pltpu.make_async_copy(
                m_v, votes_hbm.at[k, q, :, pl.ds(base, _CH)], sem).wait()
            return carry

        lax.fori_loop(0, 2 * _Q, drain, 0)

    return sc_kern


def _tc_vi_body(s_ref, vi_hbm, pred_ref, mbuf, sems, acc_ref):
    i = pl.program_id(0)
    slot = lax.rem(i, 2)

    def fleet(sl, off):
        return [
            pltpu.make_async_copy(
                mbuf.at[sl], vi_hbm.at[q, :, pl.ds(off * _BN, _BN)], sems.at[sl])
            for q in range(_Q)
        ]

    @pl.when(i >= 2)
    def _():
        for cp in fleet(slot, i - 2):
            cp.wait()

    s = s_ref[...].reshape(1, _BN)
    c = jnp.minimum(s, float(_TAU))
    tio = lax.broadcasted_iota(jnp.int32, (_T1, _BN), 0).astype(jnp.float32)
    m = jnp.where(tio == c, 1.0, 0.0)
    mbuf[slot] = m

    @pl.when(i == 0)
    def _():
        acc_ref[...] = jnp.zeros_like(acc_ref)

    acc_ref[...] += jnp.sum(m, axis=1, keepdims=True)

    for cp in fleet(slot, i):
        cp.start()

    @pl.when(i == _NB - 1)
    def _():
        for cp in fleet(slot, i):
            cp.wait()
        for cp in fleet(1 - slot, i):
            cp.wait()
        total = jnp.sum(acc_ref[...]) * 2.0
        tq = jnp.zeros((1, _Q), jnp.float32) + total
        qi = lax.broadcasted_iota(jnp.int32, (1, _Q), 1).astype(jnp.float32)
        mx = jnp.max(tq)
        first = jnp.min(jnp.where(tq == mx, qi, 1e9))
        pred_ref[...] = jnp.where(qi == first, 1.0, 0.0)[0]


_tc_call = pl.pallas_call(
    _tc_vi_body,
    grid=(_NB,),
    in_specs=[pl.BlockSpec((_BN,), lambda i: (i,))],
    out_specs=[
        pl.BlockSpec(memory_space=pltpu.MemorySpace.HBM),
        pl.BlockSpec((_Q,), lambda i: (0,)),
    ],
    out_shape=[
        jax.ShapeDtypeStruct((_Q, _T1, _NUM), jnp.float32),
        jax.ShapeDtypeStruct((_Q,), jnp.float32),
    ],
    scratch_shapes=[
        pltpu.VMEM((2, _T1, _BN), jnp.float32),
        pltpu.SemaphoreType.DMA((2,)),
        pltpu.VMEM((_T1, 1), jnp.float32),
    ],
)


def kernel(input_spikes, weights):
    del weights
    flat = input_spikes.reshape(_NUM)
    votes_t = _sc_votes_kernel()(flat)
    vi_t, pred = _tc_call(flat)
    vi = vi_t.transpose(2, 0, 1)
    votes = votes_t.transpose(0, 3, 1, 2)
    return (pred, vi, votes)

# --- scband reference (transcript-rebuilt; emitter-appended) ---
"""Pipeline reference for scband-dual-tnnvoter-tally-layer-9208409882744 (READ-ONLY COPY).

The authoritative reference and input builder live on the scoring server;
editing this copy changes nothing except your own understanding.
"""

import jax, jax.numpy as jnp
import numpy as np

ROWS, COLS, P, Q, TAU, WRES = 64, 64, 32, 10, 3, 3
WMAX = 2 ** WRES - 1
NUM = ROWS * COLS * P


def setup_inputs(seed: int = 0) -> dict:
    key = jax.random.key(seed)
    input_spikes = jax.random.randint(key, (ROWS, COLS, P), 0, 5).astype(jnp.float32)
    # w_init == 'half': wmax/2 * ones
    weights = (WMAX / 2.0) * jnp.ones((2, NUM, Q, TAU + 1), dtype=jnp.float32)
    return {"input_spikes": input_spikes, "weights": weights}


def reference(input_spikes, weights):
    # voter_in = input_spikes.unsqueeze(3).repeat(1,1,1,q).reshape(-1,q).unsqueeze(0).repeat(2,1,1)
    v = jnp.broadcast_to(input_spikes[..., None], (ROWS, COLS, P, Q)).reshape(-1, Q)
    v = jnp.broadcast_to(v[None], (2, NUM, Q))
    # clamp spike times >= tau_eff (but not Inf) to tau_eff
    cond = (v >= TAU) & (v != jnp.inf)
    v = jnp.where(cond, float(TAU), v)
    # expand along tau axis
    v4 = jnp.broadcast_to(v[..., None], (2, NUM, Q, TAU + 1))
    const = jnp.broadcast_to(jnp.arange(TAU + 1, dtype=jnp.float32), (2, NUM, Q, TAU + 1))
    diff = const - v4
    # voter_in[voter_in != 0] = -1; voter_in += 1  ->  one-hot of spike time
    vi = jnp.where(diff != 0, 0.0, 1.0)
    sel_weights = vi * weights
    # votes[sel_weights >= wmax/2] = 1
    votes = jnp.where(sel_weights >= WMAX / 2.0, 1.0, 0.0)
    votes_perm = jnp.transpose(votes, (2, 0, 1, 3)).reshape(Q, -1)
    tally = jnp.sum(votes_perm, axis=1)
    pred_idx = jnp.argmax(tally)
    prediction = jnp.zeros(Q, dtype=jnp.float32).at[pred_idx].set(1.0)
    return (prediction, vi[0], votes)

if __name__ == "__main__":
    import jax
    _d = setup_inputs()
    print(jax.jit(kernel)(*tuple(_d.values())))

</pallas_src>

<mosaic_0001>
#map = affine_map<(d0, d1) -> (0)>
#map1 = affine_map<(d0, d1) -> (0, 0, 0, 0)>
module attributes {stable_mosaic.version = 14 : i64} {
  func.func @sc_kern(%arg0: i32, %arg1: i32, %arg2: memref<131072xf32, #tpu.memory_space<hbm>>, %arg3: memref<2x10x4x131072xf32, #tpu.memory_space<hbm>>, %arg4: memref<4096xf32, #tpu.memory_space<vmem>>, %arg5: memref<4x4096xf32, #tpu.memory_space<vmem>>, %arg6: memref<!tpu.dma_semaphore, #tpu.memory_space<semaphore_mem>>) attributes {dimension_semantics = [#tpu.dimension_semantics<core_parallel>, #tpu.dimension_semantics<subcore_parallel>], iteration_bounds = array<i64: 2, 16>, scalar_prefetch = 0 : i64, scratch_operands = 3 : i64, tpu.core_type = #tpu.core_type<sc_vector_subcore>, window_params = [{transform_indices = #map}, {transform_indices = #map1}]} {
    %mul3A = arith.constant 2 : i32
    %mul3A_0 = arith.muli %arg1, %mul3A : i32
    %add3A = arith.addi %mul3A_0, %arg0 : i32
    %mul3A_1 = arith.constant 4096 : i32
    %mul3A_2 = arith.muli %add3A, %mul3A_1 : i32
    "tpu.region"() ({
      %run_scoped3A = tpu.sem_alloc : memref<!tpu.dma_semaphore, #tpu.memory_space<semaphore_mem>>
      %dma_start3A = tpu.memref_slice %arg2[%mul3A_2] : memref<131072xf32, #tpu.memory_space<hbm>> -> memref<4096xf32, #tpu.memory_space<hbm>>
      %dma_start3A_20 = tpu.memref_slice %arg2[%mul3A_2] : memref<131072xf32, #tpu.memory_space<hbm>> -> memref<4096xf32, #tpu.memory_space<hbm>>
      tpu.enqueue_dma source(%dma_start3A_20 : memref<4096xf32, #tpu.memory_space<hbm>>) target(%arg4 : memref<4096xf32, #tpu.memory_space<vmem>>) target_semaphore(%run_scoped3A : memref<!tpu.dma_semaphore, #tpu.memory_space<semaphore_mem>>)
      %dma_wait3A = tpu.memref_slice %arg2[%mul3A_2] : memref<131072xf32, #tpu.memory_space<hbm>> -> memref<4096xf32, #tpu.memory_space<hbm>>
      %dma_wait3A_21 = tpu.memref_slice %arg2[%mul3A_2] : memref<131072xf32, #tpu.memory_space<hbm>> -> memref<4096xf32, #tpu.memory_space<hbm>>
      tpu.wait_dma2 semaphore(%run_scoped3A : memref<!tpu.dma_semaphore, #tpu.memory_space<semaphore_mem>>) src(%dma_wait3A_21 : memref<4096xf32, #tpu.memory_space<hbm>>) dst(%arg4 : memref<4096xf32, #tpu.memory_space<vmem>>)
      tpu.yield
    }) : () -> ()
    %scan3A = arith.constant 0 : i32
    %scan3A_3 = arith.constant 0 : i32
    %scan3A_4 = arith.constant 256 : i32
    %scan3A_5 = arith.addi %scan3A_3, %scan3A_4 : i32
    %scan3A_6 = arith.constant 1 : i32
    scf.for %scan3A_20 = %scan3A_3 to %scan3A_5 step %scan3A_6  : i32 {
      %mul3A_21 = arith.constant 16 : i32
      %mul3A_22 = arith.muli %scan3A_20, %mul3A_21 : i32
      %get3A = arith.index_cast %mul3A_22 : i32 to index
      %get3A_23 = tpu.vector_load %arg4[%get3A] {strides = array<i32>} : memref<4096xf32, #tpu.memory_space<vmem>>, vector<16xf32>,
      %get3A_24 = vector.shape_cast %get3A_23 : vector<16xf32> to vector<16xf32>
      %min3A = arith.constant 3.000000e+00 : f32
      %min3A_25 = vector.broadcast %min3A : f32 to vector<16xf32>
      %min3A_26 = arith.minimumf %get3A_24, %min3A_25 : vector<16xf32>
      %eq3A = arith.constant 0.000000e+00 : f32
      %eq3A_27 = vector.broadcast %eq3A : f32 to vector<16xf32>
      %eq3A_28 = arith.cmpf oeq, %min3A_26, %eq3A_27 : vector<16xf32>
      %jit3A = arith.constant 1.000000e+00 : f32
      %jit3A_29 = arith.constant 0.000000e+00 : f32
      %broadcast_in_dim3A = vector.broadcast %jit3A : f32 to vector<16xf32>
      %broadcast_in_dim3A_30 = vector.broadcast %jit3A_29 : f32 to vector<16xf32>
      %select_n3A = arith.select %eq3A_28, %broadcast_in_dim3A, %broadcast_in_dim3A_30 : vector<16xi1>, vector<16xf32>
      %mul3A_31 = arith.constant 16 : i32
      %mul3A_32 = arith.muli %scan3A_20, %mul3A_31 : i32
      %swap3A = arith.constant 0 : i32
      %swap3A_33 = arith.index_cast %swap3A : i32 to index
      %swap3A_34 = arith.index_cast %mul3A_32 : i32 to index
      %swap3A_35 = tpu.vector_load %arg5[%swap3A_33, %swap3A_34] {strides = array<i32>} : memref<4x4096xf32, #tpu.memory_space<vmem>>, vector<1x16xf32>,
      %swap3A_36 = vector.shape_cast %swap3A_35 : vector<1x16xf32> to vector<16xf32>
      %swap3A_37 = vector.shape_cast %select_n3A : vector<16xf32> to vector<1x16xf32>
      tpu.vector_store %arg5[%swap3A_33, %swap3A_34], %swap3A_37 {strides = array<i32>} : memref<4x4096xf32, #tpu.memory_space<vmem>>, vector<1x16xf32>,
      %eq3A_38 = arith.constant 1.000000e+00 : f32
      %eq3A_39 = vector.broadcast %eq3A_38 : f32 to vector<16xf32>
      %eq3A_40 = arith.cmpf oeq, %min3A_26, %eq3A_39 : vector<16xf32>
      %jit3A_41 = arith.constant 1.000000e+00 : f32
      %jit3A_42 = arith.constant 0.000000e+00 : f32
      %broadcast_in_dim3A_43 = vector.broadcast %jit3A_41 : f32 to vector<16xf32>
      %broadcast_in_dim3A_44 = vector.broadcast %jit3A_42 : f32 to vector<16xf32>
      %select_n3A_45 = arith.select %eq3A_40, %broadcast_in_dim3A_43, %broadcast_in_dim3A_44 : vector<16xi1>, vector<16xf32>
      %mul3A_46 = arith.constant 16 : i32
      %mul3A_47 = arith.muli %scan3A_20, %mul3A_46 : i32
      %swap3A_48 = arith.constant 1 : i32
      %swap3A_49 = arith.index_cast %swap3A_48 : i32 to index
      %swap3A_50 = arith.index_cast %mul3A_47 : i32 to index
      %swap3A_51 = tpu.vector_load %arg5[%swap3A_49, %swap3A_50] {strides = array<i32>} : memref<4x4096xf32, #tpu.memory_space<vmem>>, vector<1x16xf32>,
      %swap3A_52 = vector.shape_cast %swap3A_51 : vector<1x16xf32> to vector<16xf32>
      %swap3A_53 = vector.shape_cast %select_n3A_45 : vector<16xf32> to vector<1x16xf32>
      tpu.vector_store %arg5[%swap3A_49, %swap3A_50], %swap3A_53 {strides = array<i32>} : memref<4x4096xf32, #tpu.memory_space<vmem>>, vector<1x16xf32>,
      %eq3A_54 = arith.constant 2.000000e+00 : f32
      %eq3A_55 = vector.broadcast %eq3A_54 : f32 to vector<16xf32>
      %eq3A_56 = arith.cmpf oeq, %min3A_26, %eq3A_55 : vector<16xf32>
      %jit3A_57 = arith.constant 1.000000e+00 : f32
      %jit3A_58 = arith.constant 0.000000e+00 : f32
      %broadcast_in_dim3A_59 = vector.broadcast %jit3A_57 : f32 to vector<16xf32>
      %broadcast_in_dim3A_60 = vector.broadcast %jit3A_58 : f32 to vector<16xf32>
      %select_n3A_61 = arith.select %eq3A_56, %broadcast_in_dim3A_59, %broadcast_in_dim3A_60 : vector<16xi1>, vector<16xf32>
      %mul3A_62 = arith.constant 16 : i32
      %mul3A_63 = arith.muli %scan3A_20, %mul3A_62 : i32
      %swap3A_64 = arith.constant 2 : i32
      %swap3A_65 = arith.index_cast %swap3A_64 : i32 to index
      %swap3A_66 = arith.index_cast %mul3A_63 : i32 to index
      %swap3A_67 = tpu.vector_load %arg5[%swap3A_65, %swap3A_66] {strides = array<i32>} : memref<4x4096xf32, #tpu.memory_space<vmem>>, vector<1x16xf32>,
      %swap3A_68 = vector.shape_cast %swap3A_67 : vector<1x16xf32> to vector<16xf32>
      %swap3A_69 = vector.shape_cast %select_n3A_61 : vector<16xf32> to vector<1x16xf32>
      tpu.vector_store %arg5[%swap3A_65, %swap3A_66], %swap3A_69 {strides = array<i32>} : memref<4x4096xf32, #tpu.memory_space<vmem>>, vector<1x16xf32>,
      %eq3A_70 = arith.constant 3.000000e+00 : f32
      %eq3A_71 = vector.broadcast %eq3A_70 : f32 to vector<16xf32>
      %eq3A_72 = arith.cmpf oeq, %min3A_26, %eq3A_71 : vector<16xf32>
      %jit3A_73 = arith.constant 1.000000e+00 : f32
      %jit3A_74 = arith.constant 0.000000e+00 : f32
      %broadcast_in_dim3A_75 = vector.broadcast %jit3A_73 : f32 to vector<16xf32>
      %broadcast_in_dim3A_76 = vector.broadcast %jit3A_74 : f32 to vector<16xf32>
      %select_n3A_77 = arith.select %eq3A_72, %broadcast_in_dim3A_75, %broadcast_in_dim3A_76 : vector<16xi1>, vector<16xf32>
      %mul3A_78 = arith.constant 16 : i32
      %mul3A_79 = arith.muli %scan3A_20, %mul3A_78 : i32
      %swap3A_80 = arith.constant 3 : i32
      %swap3A_81 = arith.index_cast %swap3A_80 : i32 to index
      %swap3A_82 = arith.index_cast %mul3A_79 : i32 to index
      %swap3A_83 = tpu.vector_load %arg5[%swap3A_81, %swap3A_82] {strides = array<i32>} : memref<4x4096xf32, #tpu.memory_space<vmem>>, vector<1x16xf32>,
      %swap3A_84 = vector.shape_cast %swap3A_83 : vector<1x16xf32> to vector<16xf32>
      %swap3A_85 = vector.shape_cast %select_n3A_77 : vector<16xf32> to vector<1x16xf32>
      tpu.vector_store %arg5[%swap3A_81, %swap3A_82], %swap3A_85 {strides = array<i32>} : memref<4x4096xf32, #tpu.memory_space<vmem>>, vector<1x16xf32>,
    }
    %scan3A_7 = arith.constant 256 : i32
    %scan3A_8 = arith.constant 0 : i32
    %scan3A_9 = arith.constant 0 : i32
    %scan3A_10 = arith.constant 20 : i32
    %scan3A_11 = arith.addi %scan3A_9, %scan3A_10 : i32
    %scan3A_12 = arith.constant 1 : i32
    scf.for %scan3A_20 = %scan3A_9 to %scan3A_11 step %scan3A_12  : i32 {
      %jit3A = arith.constant 10 : i32
      %div3A = arith.divsi %scan3A_20, %jit3A : i32
      %sign3A = arith.constant 0 : i32
      %sign3A_21 = arith.cmpi sgt, %scan3A_20, %sign3A : i32
      %sign3A_22 = arith.extui %sign3A_21 : i1 to i32
      %sign3A_23 = arith.constant 0 : i32
      %sign3A_24 = arith.cmpi slt, %scan3A_20, %sign3A_23 : i32
      %sign3A_25 = arith.extui %sign3A_24 : i1 to i32
      %sign3A_26 = arith.subi %sign3A_22, %sign3A_25 : i32
      %sign3A_27 = arith.constant 0 : i32
      %sign3A_28 = arith.cmpi sgt, %jit3A, %sign3A_27 : i32
      %sign3A_29 = arith.extui %sign3A_28 : i1 to i32
      %sign3A_30 = arith.constant 0 : i32
      %sign3A_31 = arith.cmpi slt, %jit3A, %sign3A_30 : i32
      %sign3A_32 = arith.extui %sign3A_31 : i1 to i32
      %sign3A_33 = arith.subi %sign3A_29, %sign3A_32 : i32
      %ne3A = arith.cmpi ne, %sign3A_26, %sign3A_33 : i32
      %rem3A = arith.remsi %scan3A_20, %jit3A : i32
      %ne3A_34 = arith.constant 0 : i32
      %ne3A_35 = arith.cmpi ne, %rem3A, %ne3A_34 : i32
      %and3A = arith.andi %ne3A, %ne3A_35 : i1
      %sub3A = arith.constant 1 : i32
      %sub3A_36 = arith.subi %div3A, %sub3A : i32
      %select_n3A = arith.select %and3A, %sub3A_36, %div3A : i32
      %mul3A_37 = arith.constant 10 : i32
      %mul3A_38 = arith.muli %select_n3A, %mul3A_37 : i32
      %sub3A_39 = arith.subi %scan3A_20, %mul3A_38 : i32
      %dma_start3A = arith.constant 0 : i32
      %dma_start3A_40 = tpu.memref_slice %arg3[%select_n3A, %sub3A_39, %dma_start3A, %mul3A_2] : memref<2x10x4x131072xf32, #tpu.memory_space<hbm>> -> memref<1x1x4x4096xf32, #tpu.memory_space<hbm>>
      %dma_start3A_41 = tpu.memref_squeeze %dma_start3A_40 : memref<1x1x4x4096xf32, #tpu.memory_space<hbm>> -> memref<4x4096xf32, #tpu.memory_space<hbm>>
      %dma_start3A_42 = arith.constant 0 : i32
      %dma_start3A_43 = tpu.memref_slice %arg3[%select_n3A, %sub3A_39, %dma_start3A_42, %mul3A_2] : memref<2x10x4x131072xf32, #tpu.memory_space<hbm>> -> memref<1x1x4x4096xf32, #tpu.memory_space<hbm>>
      %dma_start3A_44 = tpu.memref_squeeze %dma_start3A_43 : memref<1x1x4x4096xf32, #tpu.memory_space<hbm>> -> memref<4x4096xf32, #tpu.memory_space<hbm>>
      tpu.enqueue_dma source(%arg5 : memref<4x4096xf32, #tpu.memory_space<vmem>>) target(%dma_start3A_44 : memref<4x4096xf32, #tpu.memory_space<hbm>>) target_semaphore(%arg6 : memref<!tpu.dma_semaphore, #tpu.memory_space<semaphore_mem>>)
    }
    %scan3A_13 = arith.constant 20 : i32
    %scan3A_14 = arith.constant 0 : i32
    %scan3A_15 = arith.constant 0 : i32
    %scan3A_16 = arith.constant 20 : i32
    %scan3A_17 = arith.addi %scan3A_15, %scan3A_16 : i32
    %scan3A_18 = arith.constant 1 : i32
    scf.for %scan3A_20 = %scan3A_15 to %scan3A_17 step %scan3A_18  : i32 {
      %jit3A = arith.constant 10 : i32
      %div3A = arith.divsi %scan3A_20, %jit3A : i32
      %sign3A = arith.constant 0 : i32
      %sign3A_21 = arith.cmpi sgt, %scan3A_20, %sign3A : i32
      %sign3A_22 = arith.extui %sign3A_21 : i1 to i32
      %sign3A_23 = arith.constant 0 : i32
      %sign3A_24 = arith.cmpi slt, %scan3A_20, %sign3A_23 : i32
      %sign3A_25 = arith.extui %sign3A_24 : i1 to i32
      %sign3A_26 = arith.subi %sign3A_22, %sign3A_25 : i32
      %sign3A_27 = arith.constant 0 : i32
      %sign3A_28 = arith.cmpi sgt, %jit3A, %sign3A_27 : i32
      %sign3A_29 = arith.extui %sign3A_28 : i1 to i32
      %sign3A_30 = arith.constant 0 : i32
      %sign3A_31 = arith.cmpi slt, %jit3A, %sign3A_30 : i32
      %sign3A_32 = arith.extui %sign3A_31 : i1 to i32
      %sign3A_33 = arith.subi %sign3A_29, %sign3A_32 : i32
      %ne3A = arith.cmpi ne, %sign3A_26, %sign3A_33 : i32
      %rem3A = arith.remsi %scan3A_20, %jit3A : i32
      %ne3A_34 = arith.constant 0 : i32
      %ne3A_35 = arith.cmpi ne, %rem3A, %ne3A_34 : i32
      %and3A = arith.andi %ne3A, %ne3A_35 : i1
      %sub3A = arith.constant 1 : i32
      %sub3A_36 = arith.subi %div3A, %sub3A : i32
      %select_n3A = arith.select %and3A, %sub3A_36, %div3A : i32
      %mul3A_37 = arith.constant 10 : i32
      %mul3A_38 = arith.muli %select_n3A, %mul3A_37 : i32
      %sub3A_39 = arith.subi %scan3A_20, %mul3A_38 : i32
      %dma_wait3A = arith.constant 0 : i32
      %dma_wait3A_40 = tpu.memref_slice %arg3[%select_n3A, %sub3A_39, %dma_wait3A, %mul3A_2] : memref<2x10x4x131072xf32, #tpu.memory_space<hbm>> -> memref<1x1x4x4096xf32, #tpu.memory_space<hbm>>
      %dma_wait3A_41 = tpu.memref_squeeze %dma_wait3A_40 : memref<1x1x4x4096xf32, #tpu.memory_space<hbm>> -> memref<4x4096xf32, #tpu.memory_space<hbm>>
      %dma_wait3A_42 = arith.constant 0 : i32
      %dma_wait3A_43 = tpu.memref_slice %arg3[%select_n3A, %sub3A_39, %dma_wait3A_42, %mul3A_2] : memref<2x10x4x131072xf32, #tpu.memory_space<hbm>> -> memref<1x1x4x4096xf32, #tpu.memory_space<hbm>>
      %dma_wait3A_44 = tpu.memref_squeeze %dma_wait3A_43 : memref<1x1x4x4096xf32, #tpu.memory_space<hbm>> -> memref<4x4096xf32, #tpu.memory_space<hbm>>
      tpu.wait_dma2 semaphore(%arg6 : memref<!tpu.dma_semaphore, #tpu.memory_space<semaphore_mem>>) src(%arg5 : memref<4x4096xf32, #tpu.memory_space<vmem>>) dst(%dma_wait3A_44 : memref<4x4096xf32, #tpu.memory_space<hbm>>)
    }
    %scan3A_19 = arith.constant 20 : i32
    return
  }
}

module attributes {stable_mosaic.version = 14 : i64} {
  func.func @_tc_vi_body(%arg0: i32, %arg1: memref<16384xf32, #tpu.memory_space<vmem>>, %arg2: memref<10x4x131072xf32, #tpu.memory_space<hbm>>, %arg3: memref<10xf32, #tpu.memory_space<vmem>>, %arg4: memref<2x4x16384xf32, #tpu.memory_space<vmem>>, %arg5: memref<2x!tpu.dma_semaphore, #tpu.memory_space<semaphore_mem>>, %arg6: memref<4x1xf32, #tpu.memory_space<vmem>>) attributes {dimension_semantics = [#tpu.dimension_semantics<arbitrary>], iteration_bounds = array<i64: 8>, scalar_prefetch = 0 : i64, scratch_operands = 3 : i64, tpu.core_type = #tpu.core_type<tc>, window_params = [{transform_indices = @transform_0, window_bounds = array<i64: 16384>}, {}, {pipeline_mode = #tpu.pipeline_mode<synchronous>, transform_indices = @transform_2, window_bounds = array<i64: 10>}]} {
    %rem3A = arith.constant 2 : i32
    %rem3A_0 = arith.remsi %arg0, %rem3A : i32
    %ge3A = arith.constant 2 : i32
    %ge3A_1 = arith.cmpi sge, %arg0, %ge3A : i32
    %convert_element_type3A = arith.extui %ge3A_1 : i1 to i32
    %cond3A = arith.constant 0 : i32
    %cond3A_2 = arith.cmpi ne, %convert_element_type3A, %cond3A : i32
    scf.if %cond3A_2 {
      %sub3A = arith.constant 2 : i32
      %sub3A_151 = arith.subi %arg0, %sub3A : i32
      %mul3A_152 = arith.constant 16384 : i32
      %mul3A_153 = arith.muli %sub3A_151, %mul3A_152 : i32
      %mul3A_154 = arith.constant 16384 : i32
      %mul3A_155 = arith.muli %sub3A_151, %mul3A_154 : i32
      %mul3A_156 = arith.constant 16384 : i32
      %mul3A_157 = arith.muli %sub3A_151, %mul3A_156 : i32
      %mul3A_158 = arith.constant 16384 : i32
      %mul3A_159 = arith.muli %sub3A_151, %mul3A_158 : i32
      %mul3A_160 = arith.constant 16384 : i32
      %mul3A_161 = arith.muli %sub3A_151, %mul3A_160 : i32
      %mul3A_162 = arith.constant 16384 : i32
      %mul3A_163 = arith.muli %sub3A_151, %mul3A_162 : i32
      %mul3A_164 = arith.constant 16384 : i32
      %mul3A_165 = arith.muli %sub3A_151, %mul3A_164 : i32
      %mul3A_166 = arith.constant 16384 : i32
      %mul3A_167 = arith.muli %sub3A_151, %mul3A_166 : i32
      %mul3A_168 = arith.constant 16384 : i32
      %mul3A_169 = arith.muli %sub3A_151, %mul3A_168 : i32
      %mul3A_170 = arith.constant 16384 : i32
      %mul3A_171 = arith.muli %sub3A_151, %mul3A_170 : i32
      %dma_wait3A = arith.constant 0 : i32
      %dma_wait3A_172 = tpu.memref_slice %arg5[%rem3A_0] : memref<2x!tpu.dma_semaphore, #tpu.memory_space<semaphore_mem>> -> memref<1x!tpu.dma_semaphore, #tpu.memory_space<semaphore_mem>>
      %dma_wait3A_173 = tpu.memref_squeeze %dma_wait3A_172 : memref<1x!tpu.dma_semaphore, #tpu.memory_space<semaphore_mem>> -> memref<!tpu.dma_semaphore, #tpu.memory_space<semaphore_mem>>
      %dma_wait3A_174 = arith.constant 0 : i32
      %dma_wait3A_175 = tpu.memref_slice %arg2[%dma_wait3A, %dma_wait3A_174, %mul3A_153] : memref<10x4x131072xf32, #tpu.memory_space<hbm>> -> memref<1x4x16384xf32, #tpu.memory_space<hbm>>
      %dma_wait3A_176 = tpu.memref_squeeze %dma_wait3A_175 : memref<1x4x16384xf32, #tpu.memory_space<hbm>> -> memref<4x16384xf32, #tpu.memory_space<hbm>>
      %dma_wait3A_177 = arith.constant 0 : i32
      %dma_wait3A_178 = arith.constant 0 : i32
      %dma_wait3A_179 = tpu.memref_slice %arg4[%rem3A_0, %dma_wait3A_177, %dma_wait3A_178] : memref<2x4x16384xf32, #tpu.memory_space<vmem>> -> memref<1x4x16384xf32, #tpu.memory_space<vmem>>
      %dma_wait3A_180 = tpu.memref_squeeze %dma_wait3A_179 : memref<1x4x16384xf32, #tpu.memory_space<vmem>> -> memref<4x16384xf32, #tpu.memory_space<vmem>>
      tpu.wait_dma2 semaphore(%dma_wait3A_173 : memref<!tpu.dma_semaphore, #tpu.memory_space<semaphore_mem>>) src(%dma_wait3A_180 : memref<4x16384xf32, #tpu.memory_space<vmem>>) dst(%dma_wait3A_176 : memref<4x16384xf32, #tpu.memory_space<hbm>>)
      %dma_wait3A_181 = arith.constant 1 : i32
      %dma_wait3A_182 = tpu.memref_slice %arg5[%rem3A_0] : memref<2x!tpu.dma_semaphore, #tpu.memory_space<semaphore_mem>> -> memref<1x!tpu.dma_semaphore, #tpu.memory_space<semaphore_mem>>
      %dma_wait3A_183 = tpu.memref_squeeze %dma_wait3A_182 : memref<1x!tpu.dma_semaphore, #tpu.memory_space<semaphore_mem>> -> memref<!tpu.dma_semaphore, #tpu.memory_space<semaphore_mem>>
      %dma_wait3A_184 = arith.constant 0 : i32
      %dma_wait3A_185 = tpu.memref_slice %arg2[%dma_wait3A_181, %dma_wait3A_184, %mul3A_155] : memref<10x4x131072xf32, #tpu.memory_space<hbm>> -> memref<1x4x16384xf32, #tpu.memory_space<hbm>>
      %dma_wait3A_186 = tpu.memref_squeeze %dma_wait3A_185 : memref<1x4x16384xf32, #tpu.memory_space<hbm>> -> memref<4x16384xf32, #tpu.memory_space<hbm>>
      %dma_wait3A_187 = arith.constant 0 : i32
      %dma_wait3A_188 = arith.constant 0 : i32
      %dma_wait3A_189 = tpu.memref_slice %arg4[%rem3A_0, %dma_wait3A_187, %dma_wait3A_188] : memref<2x4x16384xf32, #tpu.memory_space<vmem>> -> memref<1x4x16384xf32, #tpu.memory_space<vmem>>
      %dma_wait3A_190 = tpu.memref_squeeze %dma_wait3A_189 : memref<1x4x16384xf32, #tpu.memory_space<vmem>> -> memref<4x16384xf32, #tpu.memory_space<vmem>>
      tpu.wait_dma2 semaphore(%dma_wait3A_183 : memref<!tpu.dma_semaphore, #tpu.memory_space<semaphore_mem>>) src(%dma_wait3A_190 : memref<4x16384xf32, #tpu.memory_space<vmem>>) dst(%dma_wait3A_186 : memref<4x16384xf32, #tpu.memory_space<hbm>>)
      %dma_wait3A_191 = arith.constant 2 : i32
      %dma_wait3A_192 = tpu.memref_slice %arg5[%rem3A_0] : memref<2x!tpu.dma_semaphore, #tpu.memory_space<semaphore_mem>> -> memref<1x!tpu.dma_semaphore, #tpu.memory_space<semaphore_mem>>
      %dma_wait3A_193 = tpu.memref_squeeze %dma_wait3A_192 : memref<1x!tpu.dma_semaphore, #tpu.memory_space<semaphore_mem>> -> memref<!tpu.dma_semaphore, #tpu.memory_space<semaphore_mem>>
      %dma_wait3A_194 = arith.constant 0 : i32
      %dma_wait3A_195 = tpu.memref_slice %arg2[%dma_wait3A_191, %dma_wait3A_194, %mul3A_157] : memref<10x4x131072xf32, #tpu.memory_space<hbm>> -> memref<1x4x16384xf32, #tpu.memory_space<hbm>>
      %dma_wait3A_196 = tpu.memref_squeeze %dma_wait3A_195 : memref<1x4x16384xf32, #tpu.memory_space<hbm>> -> memref<4x16384xf32, #tpu.memory_space<hbm>>
      %dma_wait3A_197 = arith.constant 0 : i32
      %dma_wait3A_198 = arith.constant 0 : i32
      %dma_wait3A_199 = tpu.memref_slice %arg4[%rem3A_0, %dma_wait3A_197, %dma_wait3A_198] : memref<2x4x16384xf32, #tpu.memory_space<vmem>> -> memref<1x4x16384xf32, #tpu.memory_space<vmem>>
      %dma_wait3A_200 = tpu.memref_squeeze %dma_wait3A_199 : memref<1x4x16384xf32, #tpu.memory_space<vmem>> -> memref<4x16384xf32, #tpu.memory_space<vmem>>
      tpu.wait_dma2 semaphore(%dma_wait3A_193 : memref<!tpu.dma_semaphore, #tpu.memory_space<semaphore_mem>>) src(%dma_wait3A_200 : memref<4x16384xf32, #tpu.memory_space<vmem>>) dst(%dma_wait3A_196 : memref<4x16384xf32, #tpu.memory_space<hbm>>)
      %dma_wait3A_201 = arith.constant 3 : i32
      %dma_wait3A_202 = tpu.memref_slice %arg5[%rem3A_0] : memref<2x!tpu.dma_semaphore, #tpu.memory_space<semaphore_mem>> -> memref<1x!tpu.dma_semaphore, #tpu.memory_space<semaphore_mem>>
      %dma_wait3A_203 = tpu.memref_squeeze %dma_wait3A_202 : memref<1x!tpu.dma_semaphore, #tpu.memory_space<semaphore_mem>> -> memref<!tpu.dma_semaphore, #tpu.memory_space<semaphore_mem>>
      %dma_wait3A_204 = arith.constant 0 : i32
      %dma_wait3A_205 = tpu.memref_slice %arg2[%dma_wait3A_201, %dma_wait3A_204, %mul3A_159] : memref<10x4x131072xf32, #tpu.memory_space<hbm>> -> memref<1x4x16384xf32, #tpu.memory_space<hbm>>
      %dma_wait3A_206 = tpu.memref_squeeze %dma_wait3A_205 : memref<1x4x16384xf32, #tpu.memory_space<hbm>> -> memref<4x16384xf32, #tpu.memory_space<hbm>>
      %dma_wait3A_207 = arith.constant 0 : i32
      %dma_wait3A_208 = arith.constant 0 : i32
      %dma_wait3A_209 = tpu.memref_slice %arg4[%rem3A_0, %dma_wait3A_207, %dma_wait3A_208] : memref<2x4x16384xf32, #tpu.memory_space<vmem>> -> memref<1x4x16384xf32, #tpu.memory_space<vmem>>
      %dma_wait3A_210 = tpu.memref_squeeze %dma_wait3A_209 : memref<1x4x16384xf32, #tpu.memory_space<vmem>> -> memref<4x16384xf32, #tpu.memory_space<vmem>>
      tpu.wait_dma2 semaphore(%dma_wait3A_203 : memref<!tpu.dma_semaphore, #tpu.memory_space<semaphore_mem>>) src(%dma_wait3A_210 : memref<4x16384xf32, #tpu.memory_space<vmem>>) dst(%dma_wait3A_206 : memref<4x16384xf32, #tpu.memory_space<hbm>>)
      %dma_wait3A_211 = arith.constant 4 : i32
      %dma_wait3A_212 = tpu.memref_slice %arg5[%rem3A_0] : memref<2x!tpu.dma_semaphore, #tpu.memory_space<semaphore_mem>> -> memref<1x!tpu.dma_semaphore, #tpu.memory_space<semaphore_mem>>
      %dma_wait3A_213 = tpu.memref_squeeze %dma_wait3A_212 : memref<1x!tpu.dma_semaphore, #tpu.memory_space<semaphore_mem>> -> memref<!tpu.dma_semaphore, #tpu.memory_space<semaphore_mem>>
      %dma_wait3A_214 = arith.constant 0 : i32
      %dma_wait3A_215 = tpu.memref_slice %arg2[%dma_wait3A_211, %dma_wait3A_214, %mul3A_161] : memref<10x4x131072xf32, #tpu.memory_space<hbm>> -> memref<1x4x16384xf32, #tpu.memory_space<hbm>>
      %dma_wait3A_216 = tpu.memref_squeeze %dma_wait3A_215 : memref<1x4x16384xf32, #tpu.memory_space<hbm>> -> memref<4x16384xf32, #tpu.memory_space<hbm>>
      %dma_wait3A_217 = arith.constant 0 : i32
      %dma_wait3A_218 = arith.constant 0 : i32
      %dma_wait3A_219 = tpu.memref_slice %arg4[%rem3A_0, %dma_wait3A_217, %dma_wait3A_218] : memref<2x4x16384xf32, #tpu.memory_space<vmem>> -> memref<1x4x16384xf32, #tpu.memory_space<vmem>>
      %dma_wait3A_220 = tpu.memref_squeeze %dma_wait3A_219 : memref<1x4x16384xf32, #tpu.memory_space<vmem>> -> memref<4x16384xf32, #tpu.memory_space<vmem>>
      tpu.wait_dma2 semaphore(%dma_wait3A_213 : memref<!tpu.dma_semaphore, #tpu.memory_space<semaphore_mem>>) src(%dma_wait3A_220 : memref<4x16384xf32, #tpu.memory_space<vmem>>) dst(%dma_wait3A_216 : memref<4x16384xf32, #tpu.memory_space<hbm>>)
      %dma_wait3A_221 = arith.constant 5 : i32
      %dma_wait3A_222 = tpu.memref_slice %arg5[%rem3A_0] : memref<2x!tpu.dma_semaphore, #tpu.memory_space<semaphore_mem>> -> memref<1x!tpu.dma_semaphore, #tpu.memory_space<semaphore_mem>>
      %dma_wait3A_223 = tpu.memref_squeeze %dma_wait3A_222 : memref<1x!tpu.dma_semaphore, #tpu.memory_space<semaphore_mem>> -> memref<!tpu.dma_semaphore, #tpu.memory_space<semaphore_mem>>
      %dma_wait3A_224 = arith.constant 0 : i32
      %dma_wait3A_225 = tpu.memref_slice %arg2[%dma_wait3A_221, %dma_wait3A_224, %mul3A_163] : memref<10x4x131072xf32, #tpu.memory_space<hbm>> -> memref<1x4x16384xf32, #tpu.memory_space<hbm>>
      %dma_wait3A_226 = tpu.memref_squeeze %dma_wait3A_225 : memref<1x4x16384xf32, #tpu.memory_space<hbm>> -> memref<4x16384xf32, #tpu.memory_space<hbm>>
      %dma_wait3A_227 = arith.constant 0 : i32
      %dma_wait3A_228 = arith.constant 0 : i32
      %dma_wait3A_229 = tpu.memref_slice %arg4[%rem3A_0, %dma_wait3A_227, %dma_wait3A_228] : memref<2x4x16384xf32, #tpu.memory_space<vmem>> -> memref<1x4x16384xf32, #tpu.memory_space<vmem>>
      %dma_wait3A_230 = tpu.memref_squeeze %dma_wait3A_229 : memref<1x4x16384xf32, #tpu.memory_space<vmem>> -> memref<4x16384xf32, #tpu.memory_space<vmem>>
      tpu.wait_dma2 semaphore(%dma_wait3A_223 : memref<!tpu.dma_semaphore, #tpu.memory_space<semaphore_mem>>) src(%dma_wait3A_230 : memref<4x16384xf32, #tpu.memory_space<vmem>>) dst(%dma_wait3A_226 : memref<4x16384xf32, #tpu.memory_space<hbm>>)
      %dma_wait3A_231 = arith.constant 6 : i32
      %dma_wait3A_232 = tpu.memref_slice %arg5[%rem3A_0] : memref<2x!tpu.dma_semaphore, #tpu.memory_space<semaphore_mem>> -> memref<1x!tpu.dma_semaphore, #tpu.memory_space<semaphore_mem>>
      %dma_wait3A_233 = tpu.memref_squeeze %dma_wait3A_232 : memref<1x!tpu.dma_semaphore, #tpu.memory_space<semaphore_mem>> -> memref<!tpu.dma_semaphore, #tpu.memory_space<semaphore_mem>>
      %dma_wait3A_234 = arith.constant 0 : i32
      %dma_wait3A_235 = tpu.memref_slice %arg2[%dma_wait3A_231, %dma_wait3A_234, %mul3A_165] : memref<10x4x131072xf32, #tpu.memory_space<hbm>> -> memref<1x4x16384xf32, #tpu.memory_space<hbm>>
      %dma_wait3A_236 = tpu.memref_squeeze %dma_wait3A_235 : memref<1x4x16384xf32, #tpu.memory_space<hbm>> -> memref<4x16384xf32, #tpu.memory_space<hbm>>
      %dma_wait3A_237 = arith.constant 0 : i32
      %dma_wait3A_238 = arith.constant 0 : i32
      %dma_wait3A_239 = tpu.memref_slice %arg4[%rem3A_0, %dma_wait3A_237, %dma_wait3A_238] : memref<2x4x16384xf32, #tpu.memory_space<vmem>> -> memref<1x4x16384xf32, #tpu.memory_space<vmem>>
      %dma_wait3A_240 = tpu.memref_squeeze %dma_wait3A_239 : memref<1x4x16384xf32, #tpu.memory_space<vmem>> -> memref<4x16384xf32, #tpu.memory_space<vmem>>
      tpu.wait_dma2 semaphore(%dma_wait3A_233 : memref<!tpu.dma_semaphore, #tpu.memory_space<semaphore_mem>>) src(%dma_wait3A_240 : memref<4x16384xf32, #tpu.memory_space<vmem>>) dst(%dma_wait3A_236 : memref<4x16384xf32, #tpu.memory_space<hbm>>)
      %dma_wait3A_241 = arith.constant 7 : i32
      %dma_wait3A_242 = tpu.memref_slice %arg5[%rem3A_0] : memref<2x!tpu.dma_semaphore, #tpu.memory_space<semaphore_mem>> -> memref<1x!tpu.dma_semaphore, #tpu.memory_space<semaphore_mem>>
      %dma_wait3A_243 = tpu.memref_squeeze %dma_wait3A_242 : memref<1x!tpu.dma_semaphore, #tpu.memory_space<semaphore_mem>> -> memref<!tpu.dma_semaphore, #tpu.memory_space<semaphore_mem>>
      %dma_wait3A_244 = arith.constant 0 : i32
      %dma_wait3A_245 = tpu.memref_slice %arg2[%dma_wait3A_241, %dma_wait3A_244, %mul3A_167] : memref<10x4x131072xf32, #tpu.memory_space<hbm>> -> memref<1x4x16384xf32, #tpu.memory_space<hbm>>
      %dma_wait3A_246 = tpu.memref_squeeze %dma_wait3A_245 : memref<1x4x16384xf32, #tpu.memory_space<hbm>> -> memref<4x16384xf32, #tpu.memory_space<hbm>>
      %dma_wait3A_247 = arith.constant 0 : i32
      %dma_wait3A_248 = arith.constant 0 : i32
      %dma_wait3A_249 = tpu.memref_slice %arg4[%rem3A_0, %dma_wait3A_247, %dma_wait3A_248] : memref<2x4x16384xf32, #tpu.memory_space<vmem>> -> memref<1x4x16384xf32, #tpu.memory_space<vmem>>
      %dma_wait3A_250 = tpu.memref_squeeze %dma_wait3A_249 : memref<1x4x16384xf32, #tpu.memory_space<vmem>> -> memref<4x16384xf32, #tpu.memory_space<vmem>>
      tpu.wait_dma2 semaphore(%dma_wait3A_243 : memref<!tpu.dma_semaphore, #tpu.memory_space<semaphore_mem>>) src(%dma_wait3A_250 : memref<4x16384xf32, #tpu.memory_space<vmem>>) dst(%dma_wait3A_246 : memref<4x16384xf32, #tpu.memory_space<hbm>>)
      %dma_wait3A_251 = arith.constant 8 : i32
      %dma_wait3A_252 = tpu.memref_slice %arg5[%rem3A_0] : memref<2x!tpu.dma_semaphore, #tpu.memory_space<semaphore_mem>> -> memref<1x!tpu.dma_semaphore, #tpu.memory_space<semaphore_mem>>
      %dma_wait3A_253 = tpu.memref_squeeze %dma_wait3A_252 : memref<1x!tpu.dma_semaphore, #tpu.memory_space<semaphore_mem>> -> memref<!tpu.dma_semaphore, #tpu.memory_space<semaphore_mem>>
      %dma_wait3A_254 = arith.constant 0 : i32
      %dma_wait3A_255 = tpu.memref_slice %arg2[%dma_wait3A_251, %dma_wait3A_254, %mul3A_169] : memref<10x4x131072xf32, #tpu.memory_space<hbm>> -> memref<1x4x16384xf32, #tpu.memory_space<hbm>>
      %dma_wait3A_256 = tpu.memref_squeeze %dma_wait3A_255 : memref<1x4x16384xf32, #tpu.memory_space<hbm>> -> memref<4x16384xf32, #tpu.memory_space<hbm>>
      %dma_wait3A_257 = arith.constant 0 : i32
      %dma_wait3A_258 = arith.constant 0 : i32
      %dma_wait3A_259 = tpu.memref_slice %arg4[%rem3A_0, %dma_wait3A_257, %dma_wait3A_258] : memref<2x4x16384xf32, #tpu.memory_space<vmem>> -> memref<1x4x16384xf32, #tpu.memory_space<vmem>>
      %dma_wait3A_260 = tpu.memref_squeeze %dma_wait3A_259 : memref<1x4x16384xf32, #tpu.memory_space<vmem>> -> memref<4x16384xf32, #tpu.memory_space<vmem>>
      tpu.wait_dma2 semaphore(%dma_wait3A_253 : memref<!tpu.dma_semaphore, #tpu.memory_space<semaphore_mem>>) src(%dma_wait3A_260 : memref<4x16384xf32, #tpu.memory_space<vmem>>) dst(%dma_wait3A_256 : memref<4x16384xf32, #tpu.memory_space<hbm>>)
      %dma_wait3A_261 = arith.constant 9 : i32
      %dma_wait3A_262 = tpu.memref_slice %arg5[%rem3A_0] : memref<2x!tpu.dma_semaphore, #tpu.memory_space<semaphore_mem>> -> memref<1x!tpu.dma_semaphore, #tpu.memory_space<semaphore_mem>>
      %dma_wait3A_263 = tpu.memref_squeeze %dma_wait3A_262 : memref<1x!tpu.dma_semaphore, #tpu.memory_space<semaphore_mem>> -> memref<!tpu.dma_semaphore, #tpu.memory_space<semaphore_mem>>
      %dma_wait3A_264 = arith.constant 0 : i32
      %dma_wait3A_265 = tpu.memref_slice %arg2[%dma_wait3A_261, %dma_wait3A_264, %mul3A_171] : memref<10x4x131072xf32, #tpu.memory_space<hbm>> -> memref<1x4x16384xf32, #tpu.memory_space<hbm>>
      %dma_wait3A_266 = tpu.memref_squeeze %dma_wait3A_265 : memref<1x4x16384xf32, #tpu.memory_space<hbm>> -> memref<4x16384xf32, #tpu.memory_space<hbm>>
      %dma_wait3A_267 = arith.constant 0 : i32
      %dma_wait3A_268 = arith.constant 0 : i32
      %dma_wait3A_269 = tpu.memref_slice %arg4[%rem3A_0, %dma_wait3A_267, %dma_wait3A_268] : memref<2x4x16384xf32, #tpu.memory_space<vmem>> -> memref<1x4x16384xf32, #tpu.memory_space<vmem>>
      %dma_wait3A_270 = tpu.memref_squeeze %dma_wait3A_269 : memref<1x4x16384xf32, #tpu.memory_space<vmem>> -> memref<4x16384xf32, #tpu.memory_space<vmem>>
      tpu.wait_dma2 semaphore(%dma_wait3A_263 : memref<!tpu.dma_semaphore, #tpu.memory_space<semaphore_mem>>) src(%dma_wait3A_270 : memref<4x16384xf32, #tpu.memory_space<vmem>>) dst(%dma_wait3A_266 : memref<4x16384xf32, #tpu.memory_space<hbm>>)
    } else {
    }
    %get3A = arith.constant 0 : index
    %get3A_3 = vector.load %arg1[%get3A] : memref<16384xf32, #tpu.memory_space<vmem>>, vector<16384xf32>
    %reshape3A = vector.shape_cast %get3A_3 : vector<16384xf32> to vector<1x16384xf32>
    %min3A = arith.constant 3.000000e+00 : f32
    %min3A_4 = vector.broadcast %min3A : f32 to vector<1x16384xf32>
    %min3A_5 = arith.minimumf %reshape3A, %min3A_4 : vector<1x16384xf32>
    %iota3A = tpu.iota {dimensions = array<i32: 0>} : vector<4x16384xi32>
    %convert_element_type3A_6 = arith.sitofp %iota3A : vector<4x16384xi32> to vector<4x16384xf32>
    %eq3A = vector.broadcast %min3A_5 : vector<1x16384xf32> to vector<4x16384xf32>
    %eq3A_7 = arith.cmpf oeq, %convert_element_type3A_6, %eq3A : vector<4x16384xf32>
    %jit3A = arith.constant 1.000000e+00 : f32
    %jit3A_8 = arith.constant 0.000000e+00 : f32
    %broadcast_in_dim3A = vector.broadcast %jit3A : f32 to vector<4x16384xf32>
    %broadcast_in_dim3A_9 = vector.broadcast %jit3A_8 : f32 to vector<4x16384xf32>
    %select_n3A = arith.select %eq3A_7, %broadcast_in_dim3A, %broadcast_in_dim3A_9 : vector<4x16384xi1>, vector<4x16384xf32>
    %swap3A = arith.index_cast %rem3A_0 : i32 to index
    %swap3A_10 = arith.constant 0 : index
    %swap3A_11 = arith.constant 0 : index
    %swap3A_12 = vector.load %arg4[%swap3A, %swap3A_10, %swap3A_11] : memref<2x4x16384xf32, #tpu.memory_space<vmem>>, vector<1x4x16384xf32>
    %swap3A_13 = vector.shape_cast %swap3A_12 : vector<1x4x16384xf32> to vector<4x16384xf32>
    %swap3A_14 = vector.shape_cast %select_n3A : vector<4x16384xf32> to vector<1x4x16384xf32>
    tpu.vector_store %arg4[%swap3A, %swap3A_10, %swap3A_11], %swap3A_14 {strides = array<i32>} : memref<2x4x16384xf32, #tpu.memory_space<vmem>>, vector<1x4x16384xf32>,
    %eq3A_15 = arith.constant 0 : i32
    %eq3A_16 = arith.cmpi eq, %arg0, %eq3A_15 : i32
    %convert_element_type3A_17 = arith.extui %eq3A_16 : i1 to i32
    %cond3A_18 = arith.constant 0 : i32
    %cond3A_19 = arith.cmpi ne, %convert_element_type3A_17, %cond3A_18 : i32
    scf.if %cond3A_19 {
      %broadcast_in_dim3A_151 = arith.constant 0.000000e+00 : f32
      %broadcast_in_dim3A_152 = vector.broadcast %broadcast_in_dim3A_151 : f32 to vector<4x1xf32>
      %swap3A_153 = arith.constant 0 : index
      %swap3A_154 = arith.constant 0 : index
      %swap3A_155 = vector.load %arg6[%swap3A_153, %swap3A_154] : memref<4x1xf32, #tpu.memory_space<vmem>>, vector<4x1xf32>
      tpu.vector_store %arg6[%swap3A_153, %swap3A_154], %broadcast_in_dim3A_152 {strides = array<i32>} : memref<4x1xf32, #tpu.memory_space<vmem>>, vector<4x1xf32>,
    } else {
    }
    %get3A_20 = arith.constant 0 : index
    %get3A_21 = arith.constant 0 : index
    %get3A_22 = vector.load %arg6[%get3A_20, %get3A_21] : memref<4x1xf32, #tpu.memory_space<vmem>>, vector<4x1xf32>
    %reduce_sum3A = arith.constant dense<0.000000e+00> : vector<4xf32>
    %reduce_sum3A_23 = vector.multi_reduction <add>, %select_n3A, %reduce_sum3A [1] : vector<4x16384xf32> to vector<4xf32>
    %broadcast_in_dim3A_24 = vector.shape_cast %reduce_sum3A_23 : vector<4xf32> to vector<4x1xf32>
    %add3A = arith.addf %get3A_22, %broadcast_in_dim3A_24 : vector<4x1xf32>
    %swap3A_25 = arith.constant 0 : index
    %swap3A_26 = arith.constant 0 : index
    %swap3A_27 = vector.load %arg6[%swap3A_25, %swap3A_26] : memref<4x1xf32, #tpu.memory_space<vmem>>, vector<4x1xf32>
    tpu.vector_store %arg6[%swap3A_25, %swap3A_26], %add3A {strides = array<i32>} : memref<4x1xf32, #tpu.memory_space<vmem>>, vector<4x1xf32>,
    %mul3A = arith.constant 16384 : i32
    %mul3A_28 = arith.muli %arg0, %mul3A : i32
    %mul3A_29 = arith.constant 16384 : i32
    %mul3A_30 = arith.muli %arg0, %mul3A_29 : i32
    %mul3A_31 = arith.constant 16384 : i32
    %mul3A_32 = arith.muli %arg0, %mul3A_31 : i32
    %mul3A_33 = arith.constant 16384 : i32
    %mul3A_34 = arith.muli %arg0, %mul3A_33 : i32
    %mul3A_35 = arith.constant 16384 : i32
    %mul3A_36 = arith.muli %arg0, %mul3A_35 : i32
    %mul3A_37 = arith.constant 16384 : i32
    %mul3A_38 = arith.muli %arg0, %mul3A_37 : i32
    %mul3A_39 = arith.constant 16384 : i32
    %mul3A_40 = arith.muli %arg0, %mul3A_39 : i32
    %mul3A_41 = arith.constant 16384 : i32
    %mul3A_42 = arith.muli %arg0, %mul3A_41 : i32
    %mul3A_43 = arith.constant 16384 : i32
    %mul3A_44 = arith.muli %arg0, %mul3A_43 : i32
    %mul3A_45 = arith.constant 16384 : i32
    %mul3A_46 = arith.muli %arg0, %mul3A_45 : i32
    %dma_start3A = arith.constant 0 : i32
    %dma_start3A_47 = tpu.memref_slice %arg5[%rem3A_0] : memref<2x!tpu.dma_semaphore, #tpu.memory_space<semaphore_mem>> -> memref<1x!tpu.dma_semaphore, #tpu.memory_space<semaphore_mem>>
    %dma_start3A_48 = tpu.memref_squeeze %dma_start3A_47 : memref<1x!tpu.dma_semaphore, #tpu.memory_space<semaphore_mem>> -> memref<!tpu.dma_semaphore, #tpu.memory_space<semaphore_mem>>
    %dma_start3A_49 = arith.constant 0 : i32
    %dma_start3A_50 = tpu.memref_slice %arg2[%dma_start3A, %dma_start3A_49, %mul3A_28] : memref<10x4x131072xf32, #tpu.memory_space<hbm>> -> memref<1x4x16384xf32, #tpu.memory_space<hbm>>
    %dma_start3A_51 = tpu.memref_squeeze %dma_start3A_50 : memref<1x4x16384xf32, #tpu.memory_space<hbm>> -> memref<4x16384xf32, #tpu.memory_space<hbm>>
    %dma_start3A_52 = arith.constant 0 : i32
    %dma_start3A_53 = arith.constant 0 : i32
    %dma_start3A_54 = tpu.memref_slice %arg4[%rem3A_0, %dma_start3A_52, %dma_start3A_53] : memref<2x4x16384xf32, #tpu.memory_space<vmem>> -> memref<1x4x16384xf32, #tpu.memory_space<vmem>>
    %dma_start3A_55 = tpu.memref_squeeze %dma_start3A_54 : memref<1x4x16384xf32, #tpu.memory_space<vmem>> -> memref<4x16384xf32, #tpu.memory_space<vmem>>
    tpu.enqueue_dma source(%dma_start3A_55 : memref<4x16384xf32, #tpu.memory_space<vmem>>) target(%dma_start3A_51 : memref<4x16384xf32, #tpu.memory_space<hbm>>) target_semaphore(%dma_start3A_48 : memref<!tpu.dma_semaphore, #tpu.memory_space<semaphore_mem>>)
    %dma_start3A_56 = arith.constant 1 : i32
    %dma_start3A_57 = tpu.memref_slice %arg5[%rem3A_0] : memref<2x!tpu.dma_semaphore, #tpu.memory_space<semaphore_mem>> -> memref<1x!tpu.dma_semaphore, #tpu.memory_space<semaphore_mem>>
    %dma_start3A_58 = tpu.memref_squeeze %dma_start3A_57 : memref<1x!tpu.dma_semaphore, #tpu.memory_space<semaphore_mem>> -> memref<!tpu.dma_semaphore, #tpu.memory_space<semaphore_mem>>
    %dma_start3A_59 = arith.constant 0 : i32
    %dma_start3A_60 = tpu.memref_slice %arg2[%dma_start3A_56, %dma_start3A_59, %mul3A_30] : memref<10x4x131072xf32, #tpu.memory_space<hbm>> -> memref<1x4x16384xf32, #tpu.memory_space<hbm>>
    %dma_start3A_61 = tpu.memref_squeeze %dma_start3A_60 : memref<1x4x16384xf32, #tpu.memory_space<hbm>> -> memref<4x16384xf32, #tpu.memory_space<hbm>>
    %dma_start3A_62 = arith.constant 0 : i32
    %dma_start3A_63 = arith.constant 0 : i32
    %dma_start3A_64 = tpu.memref_slice %arg4[%rem3A_0, %dma_start3A_62, %dma_start3A_63] : memref<2x4x16384xf32, #tpu.memory_space<vmem>> -> memref<1x4x16384xf32, #tpu.memory_space<vmem>>
    %dma_start3A_65 = tpu.memref_squeeze %dma_start3A_64 : memref<1x4x16384xf32, #tpu.memory_space<vmem>> -> memref<4x16384xf32, #tpu.memory_space<vmem>>
    tpu.enqueue_dma source(%dma_start3A_65 : memref<4x16384xf32, #tpu.memory_space<vmem>>) target(%dma_start3A_61 : memref<4x16384xf32, #tpu.memory_space<hbm>>) target_semaphore(%dma_start3A_58 : memref<!tpu.dma_semaphore, #tpu.memory_space<semaphore_mem>>)
    %dma_start3A_66 = arith.constant 2 : i32
    %dma_start3A_67 = tpu.memref_slice %arg5[%rem3A_0] : memref<2x!tpu.dma_semaphore, #tpu.memory_space<semaphore_mem>> -> memref<1x!tpu.dma_semaphore, #tpu.memory_space<semaphore_mem>>
    %dma_start3A_68 = tpu.memref_squeeze %dma_start3A_67 : memref<1x!tpu.dma_semaphore, #tpu.memory_space<semaphore_mem>> -> memref<!tpu.dma_semaphore, #tpu.memory_space<semaphore_mem>>
    %dma_start3A_69 = arith.constant 0 : i32
    %dma_start3A_70 = tpu.memref_slice %arg2[%dma_start3A_66, %dma_start3A_69, %mul3A_32] : memref<10x4x131072xf32, #tpu.memory_space<hbm>> -> memref<1x4x16384xf32, #tpu.memory_space<hbm>>
    %dma_start3A_71 = tpu.memref_squeeze %dma_start3A_70 : memref<1x4x16384xf32, #tpu.memory_space<hbm>> -> memref<4x16384xf32, #tpu.memory_space<hbm>>
    %dma_start3A_72 = arith.constant 0 : i32
    %dma_start3A_73 = arith.constant 0 : i32
    %dma_start3A_74 = tpu.memref_slice %arg4[%rem3A_0, %dma_start3A_72, %dma_start3A_73] : memref<2x4x16384xf32, #tpu.memory_space<vmem>> -> memref<1x4x16384xf32, #tpu.memory_space<vmem>>
    %dma_start3A_75 = tpu.memref_squeeze %dma_start3A_74 : memref<1x4x16384xf32, #tpu.memory_space<vmem>> -> memref<4x16384xf32, #tpu.memory_space<vmem>>
    tpu.enqueue_dma source(%dma_start3A_75 : memref<4x16384xf32, #tpu.memory_space<vmem>>) target(%dma_start3A_71 : memref<4x16384xf32, #tpu.memory_space<hbm>>) target_semaphore(%dma_start3A_68 : memref<!tpu.dma_semaphore, #tpu.memory_space<semaphore_mem>>)
    %dma_start3A_76 = arith.constant 3 : i32
    %dma_start3A_77 = tpu.memref_slice %arg5[%rem3A_0] : memref<2x!tpu.dma_semaphore, #tpu.memory_space<semaphore_mem>> -> memref<1x!tpu.dma_semaphore, #tpu.memory_space<semaphore_mem>>
    %dma_start3A_78 = tpu.memref_squeeze %dma_start3A_77 : memref<1x!tpu.dma_semaphore, #tpu.memory_space<semaphore_mem>> -> memref<!tpu.dma_semaphore, #tpu.memory_space<semaphore_mem>>
    %dma_start3A_79 = arith.constant 0 : i32
    %dma_start3A_80 = tpu.memref_slice %arg2[%dma_start3A_76, %dma_start3A_79, %mul3A_34] : memref<10x4x131072xf32, #tpu.memory_space<hbm>> -> memref<1x4x16384xf32, #tpu.memory_space<hbm>>
    %dma_start3A_81 = tpu.memref_squeeze %dma_start3A_80 : memref<1x4x16384xf32, #tpu.memory_space<hbm>> -> memref<4x16384xf32, #tpu.memory_space<hbm>>
    %dma_start3A_82 = arith.constant 0 : i32
    %dma_start3A_83 = arith.constant 0 : i32
    %dma_start3A_84 = tpu.memref_slice %arg4[%rem3A_0, %dma_start3A_82, %dma_start3A_83] : memref<2x4x16384xf32, #tpu.memory_space<vmem>> -> memref<1x4x16384xf32, #tpu.memory_space<vmem>>
    %dma_start3A_85 = tpu.memref_squeeze %dma_start3A_84 : memref<1x4x16384xf32, #tpu.memory_space<vmem>> -> memref<4x16384xf32, #tpu.memory_space<vmem>>
    tpu.enqueue_dma source(%dma_start3A_85 : memref<4x16384xf32, #tpu.memory_space<vmem>>) target(%dma_start3A_81 : memref<4x16384xf32, #tpu.memory_space<hbm>>) target_semaphore(%dma_start3A_78 : memref<!tpu.dma_semaphore, #tpu.memory_space<semaphore_mem>>)
    %dma_start3A_86 = arith.constant 4 : i32
    %dma_start3A_87 = tpu.memref_slice %arg5[%rem3A_0] : memref<2x!tpu.dma_semaphore, #tpu.memory_space<semaphore_mem>> -> memref<1x!tpu.dma_semaphore, #tpu.memory_space<semaphore_mem>>
    %dma_start3A_88 = tpu.memref_squeeze %dma_start3A_87 : memref<1x!tpu.dma_semaphore, #tpu.memory_space<semaphore_mem>> -> memref<!tpu.dma_semaphore, #tpu.memory_space<semaphore_mem>>
    %dma_start3A_89 = arith.constant 0 : i32
    %dma_start3A_90 = tpu.memref_slice %arg2[%dma_start3A_86, %dma_start3A_89, %mul3A_36] : memref<10x4x131072xf32, #tpu.memory_space<hbm>> -> memref<1x4x16384xf32, #tpu.memory_space<hbm>>
    %dma_start3A_91 = tpu.memref_squeeze %dma_start3A_90 : memref<1x4x16384xf32, #tpu.memory_space<hbm>> -> memref<4x16384xf32, #tpu.memory_space<hbm>>
    %dma_start3A_92 = arith.constant 0 : i32
    %dma_start3A_93 = arith.constant 0 : i32
    %dma_start3A_94 = tpu.memref_slice %arg4[%rem3A_0, %dma_start3A_92, %dma_start3A_93] : memref<2x4x16384xf32, #tpu.memory_space<vmem>> -> memref<1x4x16384xf32, #tpu.memory_space<vmem>>
    %dma_start3A_95 = tpu.memref_squeeze %dma_start3A_94 : memref<1x4x16384xf32, #tpu.memory_space<vmem>> -> memref<4x16384xf32, #tpu.memory_space<vmem>>
    tpu.enqueue_dma source(%dma_start3A_95 : memref<4x16384xf32, #tpu.memory_space<vmem>>) target(%dma_start3A_91 : memref<4x16384xf32, #tpu.memory_space<hbm>>) target_semaphore(%dma_start3A_88 : memref<!tpu.dma_semaphore, #tpu.memory_space<semaphore_mem>>)
    %dma_start3A_96 = arith.constant 5 : i32
    %dma_start3A_97 = tpu.memref_slice %arg5[%rem3A_0] : memref<2x!tpu.dma_semaphore, #tpu.memory_space<semaphore_mem>> -> memref<1x!tpu.dma_semaphore, #tpu.memory_space<semaphore_mem>>
    %dma_start3A_98 = tpu.memref_squeeze %dma_start3A_97 : memref<1x!tpu.dma_semaphore, #tpu.memory_space<semaphore_mem>> -> memref<!tpu.dma_semaphore, #tpu.memory_space<semaphore_mem>>
    %dma_start3A_99 = arith.constant 0 : i32
    %dma_start3A_100 = tpu.memref_slice %arg2[%dma_start3A_96, %dma_start3A_99, %mul3A_38] : memref<10x4x131072xf32, #tpu.memory_space<hbm>> -> memref<1x4x16384xf32, #tpu.memory_space<hbm>>
    %dma_start3A_101 = tpu.memref_squeeze %dma_start3A_100 : memref<1x4x16384xf32, #tpu.memory_space<hbm>> -> memref<4x16384xf32, #tpu.memory_space<hbm>>
    %dma_start3A_102 = arith.constant 0 : i32
    %dma_start3A_103 = arith.constant 0 : i32
    %dma_start3A_104 = tpu.memref_slice %arg4[%rem3A_0, %dma_start3A_102, %dma_start3A_103] : memref<2x4x16384xf32, #tpu.memory_space<vmem>> -> memref<1x4x16384xf32, #tpu.memory_space<vmem>>
    %dma_start3A_105 = tpu.memref_squeeze %dma_start3A_104 : memref<1x4x16384xf32, #tpu.memory_space<vmem>> -> memref<4x16384xf32, #tpu.memory_space<vmem>>
    tpu.enqueue_dma source(%dma_start3A_105 : memref<4x16384xf32, #tpu.memory_space<vmem>>) target(%dma_start3A_101 : memref<4x16384xf32, #tpu.memory_space<hbm>>) target_semaphore(%dma_start3A_98 : memref<!tpu.dma_semaphore, #tpu.memory_space<semaphore_mem>>)
    %dma_start3A_106 = arith.constant 6 : i32
    %dma_start3A_107 = tpu.memref_slice %arg5[%rem3A_0] : memref<2x!tpu.dma_semaphore, #tpu.memory_space<semaphore_mem>> -> memref<1x!tpu.dma_semaphore, #tpu.memory_space<semaphore_mem>>
    %dma_start3A_108 = tpu.memref_squeeze %dma_start3A_107 : memref<1x!tpu.dma_semaphore, #tpu.memory_space<semaphore_mem>> -> memref<!tpu.dma_semaphore, #tpu.memory_space<semaphore_mem>>
    %dma_start3A_109 = arith.constant 0 : i32
    %dma_start3A_110 = tpu.memref_slice %arg2[%dma_start3A_106, %dma_start3A_109, %mul3A_40] : memref<10x4x131072xf32, #tpu.memory_space<hbm>> -> memref<1x4x16384xf32, #tpu.memory_space<hbm>>
    %dma_start3A_111 = tpu.memref_squeeze %dma_start3A_110 : memref<1x4x16384xf32, #tpu.memory_space<hbm>> -> memref<4x16384xf32, #tpu.memory_space<hbm>>
    %dma_start3A_112 = arith.constant 0 : i32
    %dma_start3A_113 = arith.constant 0 : i32
    %dma_start3A_114 = tpu.memref_slice %arg4[%rem3A_0, %dma_start3A_112, %dma_start3A_113] : memref<2x4x16384xf32, #tpu.memory_space<vmem>> -> memref<1x4x16384xf32, #tpu.memory_space<vmem>>
    %dma_start3A_115 = tpu.memref_squeeze %dma_start3A_114 : memref<1x4x16384xf32, #tpu.memory_space<vmem>> -> memref<4x16384xf32, #tpu.memory_space<vmem>>
    tpu.enqueue_dma source(%dma_start3A_115 : memref<4x16384xf32, #tpu.memory_space<vmem>>) target(%dma_start3A_111 : memref<4x16384xf32, #tpu.memory_space<hbm>>) target_semaphore(%dma_start3A_108 : memref<!tpu.dma_semaphore, #tpu.memory_space<semaphore_mem>>)
    %dma_start3A_116 = arith.constant 7 : i32
    %dma_start3A_117 = tpu.memref_slice %arg5[%rem3A_0] : memref<2x!tpu.dma_semaphore, #tpu.memory_space<semaphore_mem>> -> memref<1x!tpu.dma_semaphore, #tpu.memory_space<semaphore_mem>>
    %dma_start3A_118 = tpu.memref_squeeze %dma_start3A_117 : memref<1x!tpu.dma_semaphore, #tpu.memory_space<semaphore_mem>> -> memref<!tpu.dma_semaphore, #tpu.memory_space<semaphore_mem>>
    %dma_start3A_119 = arith.constant 0 : i32
    %dma_start3A_120 = tpu.memref_slice %arg2[%dma_start3A_116, %dma_start3A_119, %mul3A_42] : memref<10x4x131072xf32, #tpu.memory_space<hbm>> -> memref<1x4x16384xf32, #tpu.memory_space<hbm>>
    %dma_start3A_121 = tpu.memref_squeeze %dma_start3A_120 : memref<1x4x16384xf32, #tpu.memory_space<hbm>> -> memref<4x16384xf32, #tpu.memory_space<hbm>>
    %dma_start3A_122 = arith.constant 0 : i32
    %dma_start3A_123 = arith.constant 0 : i32
    %dma_start3A_124 = tpu.memref_slice %arg4[%rem3A_0, %dma_start3A_122, %dma_start3A_123] : memref<2x4x16384xf32, #tpu.memory_space<vmem>> -> memref<1x4x16384xf32, #tpu.memory_space<vmem>>
    %dma_start3A_125 = tpu.memref_squeeze %dma_start3A_124 : memref<1x4x16384xf32, #tpu.memory_space<vmem>> -> memref<4x16384xf32, #tpu.memory_space<vmem>>
    tpu.enqueue_dma source(%dma_start3A_125 : memref<4x16384xf32, #tpu.memory_space<vmem>>) target(%dma_start3A_121 : memref<4x16384xf32, #tpu.memory_space<hbm>>) target_semaphore(%dma_start3A_118 : memref<!tpu.dma_semaphore, #tpu.memory_space<semaphore_mem>>)
    %dma_start3A_126 = arith.constant 8 : i32
    %dma_start3A_127 = tpu.memref_slice %arg5[%rem3A_0] : memref<2x!tpu.dma_semaphore, #tpu.memory_space<semaphore_mem>> -> memref<1x!tpu.dma_semaphore, #tpu.memory_space<semaphore_mem>>
    %dma_start3A_128 = tpu.memref_squeeze %dma_start3A_127 : memref<1x!tpu.dma_semaphore, #tpu.memory_space<semaphore_mem>> -> memref<!tpu.dma_semaphore, #tpu.memory_space<semaphore_mem>>
    %dma_start3A_129 = arith.constant 0 : i32
    %dma_start3A_130 = tpu.memref_slice %arg2[%dma_start3A_126, %dma_start3A_129, %mul3A_44] : memref<10x4x131072xf32, #tpu.memory_space<hbm>> -> memref<1x4x16384xf32, #tpu.memory_space<hbm>>
    %dma_start3A_131 = tpu.memref_squeeze %dma_start3A_130 : memref<1x4x16384xf32, #tpu.memory_space<hbm>> -> memref<4x16384xf32, #tpu.memory_space<hbm>>
    %dma_start3A_132 = arith.constant 0 : i32
    %dma_start3A_133 = arith.constant 0 : i32
    %dma_start3A_134 = tpu.memref_slice %arg4[%rem3A_0, %dma_start3A_132, %dma_start3A_133] : memref<2x4x16384xf32, #tpu.memory_space<vmem>> -> memref<1x4x16384xf32, #tpu.memory_space<vmem>>
    %dma_start3A_135 = tpu.memref_squeeze %dma_start3A_134 : memref<1x4x16384xf32, #tpu.memory_space<vmem>> -> memref<4x16384xf32, #tpu.memory_space<vmem>>
    tpu.enqueue_dma source(%dma_start3A_135 : memref<4x16384xf32, #tpu.memory_space<vmem>>) target(%dma_start3A_131 : memref<4x16384xf32, #tpu.memory_space<hbm>>) target_semaphore(%dma_start3A_128 : memref<!tpu.dma_semaphore, #tpu.memory_space<semaphore_mem>>)
    %dma_start3A_136 = arith.constant 9 : i32
    %dma_start3A_137 = tpu.memref_slice %arg5[%rem3A_0] : memref<2x!tpu.dma_semaphore, #tpu.memory_space<semaphore_mem>> -> memref<1x!tpu.dma_semaphore, #tpu.memory_space<semaphore_mem>>
    %dma_start3A_138 = tpu.memref_squeeze %dma_start3A_137 : memref<1x!tpu.dma_semaphore, #tpu.memory_space<semaphore_mem>> -> memref<!tpu.dma_semaphore, #tpu.memory_space<semaphore_mem>>
    %dma_start3A_139 = arith.constant 0 : i32
    %dma_start3A_140 = tpu.memref_slice %arg2[%dma_start3A_136, %dma_start3A_139, %mul3A_46] : memref<10x4x131072xf32, #tpu.memory_space<hbm>> -> memref<1x4x16384xf32, #tpu.memory_space<hbm>>
    %dma_start3A_141 = tpu.memref_squeeze %dma_start3A_140 : memref<1x4x16384xf32, #tpu.memory_space<hbm>> -> memref<4x16384xf32, #tpu.memory_space<hbm>>
    %dma_start3A_142 = arith.constant 0 : i32
    %dma_start3A_143 = arith.constant 0 : i32
    %dma_start3A_144 = tpu.memref_slice %arg4[%rem3A_0, %dma_start3A_142, %dma_start3A_143] : memref<2x4x16384xf32, #tpu.memory_space<vmem>> -> memref<1x4x16384xf32, #tpu.memory_space<vmem>>
    %dma_start3A_145 = tpu.memref_squeeze %dma_start3A_144 : memref<1x4x16384xf32, #tpu.memory_space<vmem>> -> memref<4x16384xf32, #tpu.memory_space<vmem>>
    tpu.enqueue_dma source(%dma_start3A_145 : memref<4x16384xf32, #tpu.memory_space<vmem>>) target(%dma_start3A_141 : memref<4x16384xf32, #tpu.memory_space<hbm>>) target_semaphore(%dma_start3A_138 : memref<!tpu.dma_semaphore, #tpu.memory_space<semaphore_mem>>)
    %eq3A_146 = arith.constant 7 : i32
    %eq3A_147 = arith.cmpi eq, %arg0, %eq3A_146 : i32
    %convert_element_type3A_148 = arith.extui %eq3A_147 : i1 to i32
    %cond3A_149 = arith.constant 0 : i32
    %cond3A_150 = arith.cmpi ne, %convert_element_type3A_148, %cond3A_149 : i32
    scf.if %cond3A_150 {
      %mul3A_151 = arith.constant 16384 : i32
      %mul3A_152 = arith.muli %arg0, %mul3A_151 : i32
      %mul3A_153 = arith.constant 16384 : i32
      %mul3A_154 = arith.muli %arg0, %mul3A_153 : i32
      %mul3A_155 = arith.constant 16384 : i32
      %mul3A_156 = arith.muli %arg0, %mul3A_155 : i32
      %mul3A_157 = arith.constant 16384 : i32
      %mul3A_158 = arith.muli %arg0, %mul3A_157 : i32
      %mul3A_159 = arith.constant 16384 : i32
      %mul3A_160 = arith.muli %arg0, %mul3A_159 : i32
      %mul3A_161 = arith.constant 16384 : i32
      %mul3A_162 = arith.muli %arg0, %mul3A_161 : i32
      %mul3A_163 = arith.constant 16384 : i32
      %mul3A_164 = arith.muli %arg0, %mul3A_163 : i32
      %mul3A_165 = arith.constant 16384 : i32
      %mul3A_166 = arith.muli %arg0, %mul3A_165 : i32
      %mul3A_167 = arith.constant 16384 : i32
      %mul3A_168 = arith.muli %arg0, %mul3A_167 : i32
      %mul3A_169 = arith.constant 16384 : i32
      %mul3A_170 = arith.muli %arg0, %mul3A_169 : i32
      %dma_wait3A = arith.constant 0 : i32
      %dma_wait3A_171 = tpu.memref_slice %arg5[%rem3A_0] : memref<2x!tpu.dma_semaphore, #tpu.memory_space<semaphore_mem>> -> memref<1x!tpu.dma_semaphore, #tpu.memory_space<semaphore_mem>>
      %dma_wait3A_172 = tpu.memref_squeeze %dma_wait3A_171 : memref<1x!tpu.dma_semaphore, #tpu.memory_space<semaphore_mem>> -> memref<!tpu.dma_semaphore, #tpu.memory_space<semaphore_mem>>
      %dma_wait3A_173 = arith.constant 0 : i32
      %dma_wait3A_174 = tpu.memref_slice %arg2[%dma_wait3A, %dma_wait3A_173, %mul3A_152] : memref<10x4x131072xf32, #tpu.memory_space<hbm>> -> memref<1x4x16384xf32, #tpu.memory_space<hbm>>
      %dma_wait3A_175 = tpu.memref_squeeze %dma_wait3A_174 : memref<1x4x16384xf32, #tpu.memory_space<hbm>> -> memref<4x16384xf32, #tpu.memory_space<hbm>>
      %dma_wait3A_176 = arith.constant 0 : i32
      %dma_wait3A_177 = arith.constant 0 : i32
      %dma_wait3A_178 = tpu.memref_slice %arg4[%rem3A_0, %dma_wait3A_176, %dma_wait3A_177] : memref<2x4x16384xf32, #tpu.memory_space<vmem>> -> memref<1x4x16384xf32, #tpu.memory_space<vmem>>
      %dma_wait3A_179 = tpu.memref_squeeze %dma_wait3A_178 : memref<1x4x16384xf32, #tpu.memory_space<vmem>> -> memref<4x16384xf32, #tpu.memory_space<vmem>>
      tpu.wait_dma2 semaphore(%dma_wait3A_172 : memref<!tpu.dma_semaphore, #tpu.memory_space<semaphore_mem>>) src(%dma_wait3A_179 : memref<4x16384xf32, #tpu.memory_space<vmem>>) dst(%dma_wait3A_175 : memref<4x16384xf32, #tpu.memory_space<hbm>>)
      %dma_wait3A_180 = arith.constant 1 : i32
      %dma_wait3A_181 = tpu.memref_slice %arg5[%rem3A_0] : memref<2x!tpu.dma_semaphore, #tpu.memory_space<semaphore_mem>> -> memref<1x!tpu.dma_semaphore, #tpu.memory_space<semaphore_mem>>
      %dma_wait3A_182 = tpu.memref_squeeze %dma_wait3A_181 : memref<1x!tpu.dma_semaphore, #tpu.memory_space<semaphore_mem>> -> memref<!tpu.dma_semaphore, #tpu.memory_space<semaphore_mem>>
      %dma_wait3A_183 = arith.constant 0 : i32
      %dma_wait3A_184 = tpu.memref_slice %arg2[%dma_wait3A_180, %dma_wait3A_183, %mul3A_154] : memref<10x4x131072xf32, #tpu.memory_space<hbm>> -> memref<1x4x16384xf32, #tpu.memory_space<hbm>>
      %dma_wait3A_185 = tpu.memref_squeeze %dma_wait3A_184 : memref<1x4x16384xf32, #tpu.memory_space<hbm>> -> memref<4x16384xf32, #tpu.memory_space<hbm>>
      %dma_wait3A_186 = arith.constant 0 : i32
      %dma_wait3A_187 = arith.constant 0 : i32
      %dma_wait3A_188 = tpu.memref_slice %arg4[%rem3A_0, %dma_wait3A_186, %dma_wait3A_187] : memref<2x4x16384xf32, #tpu.memory_space<vmem>> -> memref<1x4x16384xf32, #tpu.memory_space<vmem>>
      %dma_wait3A_189 = tpu.memref_squeeze %dma_wait3A_188 : memref<1x4x16384xf32, #tpu.memory_space<vmem>> -> memref<4x16384xf32, #tpu.memory_space<vmem>>
      tpu.wait_dma2 semaphore(%dma_wait3A_182 : memref<!tpu.dma_semaphore, #tpu.memory_space<semaphore_mem>>) src(%dma_wait3A_189 : memref<4x16384xf32, #tpu.memory_space<vmem>>) dst(%dma_wait3A_185 : memref<4x16384xf32, #tpu.memory_space<hbm>>)
      %dma_wait3A_190 = arith.constant 2 : i32
      %dma_wait3A_191 = tpu.memref_slice %arg5[%rem3A_0] : memref<2x!tpu.dma_semaphore, #tpu.memory_space<semaphore_mem>> -> memref<1x!tpu.dma_semaphore, #tpu.memory_space<semaphore_mem>>
      %dma_wait3A_192 = tpu.memref_squeeze %dma_wait3A_191 : memref<1x!tpu.dma_semaphore, #tpu.memory_space<semaphore_mem>> -> memref<!tpu.dma_semaphore, #tpu.memory_space<semaphore_mem>>
      %dma_wait3A_193 = arith.constant 0 : i32
      %dma_wait3A_194 = tpu.memref_slice %arg2[%dma_wait3A_190, %dma_wait3A_193, %mul3A_156] : memref<10x4x131072xf32, #tpu.memory_space<hbm>> -> memref<1x4x16384xf32, #tpu.memory_space<hbm>>
      %dma_wait3A_195 = tpu.memref_squeeze %dma_wait3A_194 : memref<1x4x16384xf32, #tpu.memory_space<hbm>> -> memref<4x16384xf32, #tpu.memory_space<hbm>>
      %dma_wait3A_196 = arith.constant 0 : i32
      %dma_wait3A_197 = arith.constant 0 : i32
      %dma_wait3A_198 = tpu.memref_slice %arg4[%rem3A_0, %dma_wait3A_196, %dma_wait3A_197] : memref<2x4x16384xf32, #tpu.memory_space<vmem>> -> memref<1x4x16384xf32, #tpu.memory_space<vmem>>
      %dma_wait3A_199 = tpu.memref_squeeze %dma_wait3A_198 : memref<1x4x16384xf32, #tpu.memory_space<vmem>> -> memref<4x16384xf32, #tpu.memory_space<vmem>>
      tpu.wait_dma2 semaphore(%dma_wait3A_192 : memref<!tpu.dma_semaphore, #tpu.memory_space<semaphore_mem>>) src(%dma_wait3A_199 : memref<4x16384xf32, #tpu.memory_space<vmem>>) dst(%dma_wait3A_195 : memref<4x16384xf32, #tpu.memory_space<hbm>>)
      %dma_wait3A_200 = arith.constant 3 : i32
      %dma_wait3A_201 = tpu.memref_slice %arg5[%rem3A_0] : memref<2x!tpu.dma_semaphore, #tpu.memory_space<semaphore_mem>> -> memref<1x!tpu.dma_semaphore, #tpu.memory_space<semaphore_mem>>
      %dma_wait3A_202 = tpu.memref_squeeze %dma_wait3A_201 : memref<1x!tpu.dma_semaphore, #tpu.memory_space<semaphore_mem>> -> memref<!tpu.dma_semaphore, #tpu.memory_space<semaphore_mem>>
      %dma_wait3A_203 = arith.constant 0 : i32
      %dma_wait3A_204 = tpu.memref_slice %arg2[%dma_wait3A_200, %dma_wait3A_203, %mul3A_158] : memref<10x4x131072xf32, #tpu.memory_space<hbm>> -> memref<1x4x16384xf32, #tpu.memory_space<hbm>>
      %dma_wait3A_205 = tpu.memref_squeeze %dma_wait3A_204 : memref<1x4x16384xf32, #tpu.memory_space<hbm>> -> memref<4x16384xf32, #tpu.memory_space<hbm>>
      %dma_wait3A_206 = arith.constant 0 : i32
      %dma_wait3A_207 = arith.constant 0 : i32
      %dma_wait3A_208 = tpu.memref_slice %arg4[%rem3A_0, %dma_wait3A_206, %dma_wait3A_207] : memref<2x4x16384xf32, #tpu.memory_space<vmem>> -> memref<1x4x16384xf32, #tpu.memory_space<vmem>>
      %dma_wait3A_209 = tpu.memref_squeeze %dma_wait3A_208 : memref<1x4x16384xf32, #tpu.memory_space<vmem>> -> memref<4x16384xf32, #tpu.memory_space<vmem>>
      tpu.wait_dma2 semaphore(%dma_wait3A_202 : memref<!tpu.dma_semaphore, #tpu.memory_space<semaphore_mem>>) src(%dma_wait3A_209 : memref<4x16384xf32, #tpu.memory_space<vmem>>) dst(%dma_wait3A_205 : memref<4x16384xf32, #tpu.memory_space<hbm>>)
      %dma_wait3A_210 = arith.constant 4 : i32
      %dma_wait3A_211 = tpu.memref_slice %arg5[%rem3A_0] : memref<2x!tpu.dma_semaphore, #tpu.memory_space<semaphore_mem>> -> memref<1x!tpu.dma_semaphore, #tpu.memory_space<semaphore_mem>>
      %dma_wait3A_212 = tpu.memref_squeeze %dma_wait3A_211 : memref<1x!tpu.dma_semaphore, #tpu.memory_space<semaphore_mem>> -> memref<!tpu.dma_semaphore, #tpu.memory_space<semaphore_mem>>
      %dma_wait3A_213 = arith.constant 0 : i32
      %dma_wait3A_214 = tpu.memref_slice %arg2[%dma_wait3A_210, %dma_wait3A_213, %mul3A_160] : memref<10x4x131072xf32, #tpu.memory_space<hbm>> -> memref<1x4x16384xf32, #tpu.memory_space<hbm>>
      %dma_wait3A_215 = tpu.memref_squeeze %dma_wait3A_214 : memref<1x4x16384xf32, #tpu.memory_space<hbm>> -> memref<4x16384xf32, #tpu.memory_space<hbm>>
      %dma_wait3A_216 = arith.constant 0 : i32
      %dma_wait3A_217 = arith.constant 0 : i32
      %dma_wait3A_218 = tpu.memref_slice %arg4[%rem3A_0, %dma_wait3A_216, %dma_wait3A_217] : memref<2x4x16384xf32, #tpu.memory_space<vmem>> -> memref<1x4x16384xf32, #tpu.memory_space<vmem>>
      %dma_wait3A_219 = tpu.memref_squeeze %dma_wait3A_218 : memref<1x4x16384xf32, #tpu.memory_space<vmem>> -> memref<4x16384xf32, #tpu.memory_space<vmem>>
      tpu.wait_dma2 semaphore(%dma_wait3A_212 : memref<!tpu.dma_semaphore, #tpu.memory_space<semaphore_mem>>) src(%dma_wait3A_219 : memref<4x16384xf32, #tpu.memory_space<vmem>>) dst(%dma_wait3A_215 : memref<4x16384xf32, #tpu.memory_space<hbm>>)
      %dma_wait3A_220 = arith.constant 5 : i32
      %dma_wait3A_221 = tpu.memref_slice %arg5[%rem3A_0] : memref<2x!tpu.dma_semaphore, #tpu.memory_space<semaphore_mem>> -> memref<1x!tpu.dma_semaphore, #tpu.memory_space<semaphore_mem>>
      %dma_wait3A_222 = tpu.memref_squeeze %dma_wait3A_221 : memref<1x!tpu.dma_semaphore, #tpu.memory_space<semaphore_mem>> -> memref<!tpu.dma_semaphore, #tpu.memory_space<semaphore_mem>>
      %dma_wait3A_223 = arith.constant 0 : i32
      %dma_wait3A_224 = tpu.memref_slice %arg2[%dma_wait3A_220, %dma_wait3A_223, %mul3A_162] : memref<10x4x131072xf32, #tpu.memory_space<hbm>> -> memref<1x4x16384xf32, #tpu.memory_space<hbm>>
      %dma_wait3A_225 = tpu.memref_squeeze %dma_wait3A_224 : memref<1x4x16384xf32, #tpu.memory_space<hbm>> -> memref<4x16384xf32, #tpu.memory_space<hbm>>
      %dma_wait3A_226 = arith.constant 0 : i32
      %dma_wait3A_227 = arith.constant 0 : i32
      %dma_wait3A_228 = tpu.memref_slice %arg4[%rem3A_0, %dma_wait3A_226, %dma_wait3A_227] : memref<2x4x16384xf32, #tpu.memory_space<vmem>> -> memref<1x4x16384xf32, #tpu.memory_space<vmem>>
      %dma_wait3A_229 = tpu.memref_squeeze %dma_wait3A_228 : memref<1x4x16384xf32, #tpu.memory_space<vmem>> -> memref<4x16384xf32, #tpu.memory_space<vmem>>
      tpu.wait_dma2 semaphore(%dma_wait3A_222 : memref<!tpu.dma_semaphore, #tpu.memory_space<semaphore_mem>>) src(%dma_wait3A_229 : memref<4x16384xf32, #tpu.memory_space<vmem>>) dst(%dma_wait3A_225 : memref<4x16384xf32, #tpu.memory_space<hbm>>)
      %dma_wait3A_230 = arith.constant 6 : i32
      %dma_wait3A_231 = tpu.memref_slice %arg5[%rem3A_0] : memref<2x!tpu.dma_semaphore, #tpu.memory_space<semaphore_mem>> -> memref<1x!tpu.dma_semaphore, #tpu.memory_space<semaphore_mem>>
      %dma_wait3A_232 = tpu.memref_squeeze %dma_wait3A_231 : memref<1x!tpu.dma_semaphore, #tpu.memory_space<semaphore_mem>> -> memref<!tpu.dma_semaphore, #tpu.memory_space<semaphore_mem>>
      %dma_wait3A_233 = arith.constant 0 : i32
      %dma_wait3A_234 = tpu.memref_slice %arg2[%dma_wait3A_230, %dma_wait3A_233, %mul3A_164] : memref<10x4x131072xf32, #tpu.memory_space<hbm>> -> memref<1x4x16384xf32, #tpu.memory_space<hbm>>
      %dma_wait3A_235 = tpu.memref_squeeze %dma_wait3A_234 : memref<1x4x16384xf32, #tpu.memory_space<hbm>> -> memref<4x16384xf32, #tpu.memory_space<hbm>>
      %dma_wait3A_236 = arith.constant 0 : i32
      %dma_wait3A_237 = arith.constant 0 : i32
      %dma_wait3A_238 = tpu.memref_slice %arg4[%rem3A_0, %dma_wait3A_236, %dma_wait3A_237] : memref<2x4x16384xf32, #tpu.memory_space<vmem>> -> memref<1x4x16384xf32, #tpu.memory_space<vmem>>
      %dma_wait3A_239 = tpu.memref_squeeze %dma_wait3A_238 : memref<1x4x16384xf32, #tpu.memory_space<vmem>> -> memref<4x16384xf32, #tpu.memory_space<vmem>>
      tpu.wait_dma2 semaphore(%dma_wait3A_232 : memref<!tpu.dma_semaphore, #tpu.memory_space<semaphore_mem>>) src(%dma_wait3A_239 : memref<4x16384xf32, #tpu.memory_space<vmem>>) dst(%dma_wait3A_235 : memref<4x16384xf32, #tpu.memory_space<hbm>>)
      %dma_wait3A_240 = arith.constant 7 : i32
      %dma_wait3A_241 = tpu.memref_slice %arg5[%rem3A_0] : memref<2x!tpu.dma_semaphore, #tpu.memory_space<semaphore_mem>> -> memref<1x!tpu.dma_semaphore, #tpu.memory_space<semaphore_mem>>
      %dma_wait3A_242 = tpu.memref_squeeze %dma_wait3A_241 : memref<1x!tpu.dma_semaphore, #tpu.memory_space<semaphore_mem>> -> memref<!tpu.dma_semaphore, #tpu.memory_space<semaphore_mem>>
      %dma_wait3A_243 = arith.constant 0 : i32
      %dma_wait3A_244 = tpu.memref_slice %arg2[%dma_wait3A_240, %dma_wait3A_243, %mul3A_166] : memref<10x4x131072xf32, #tpu.memory_space<hbm>> -> memref<1x4x16384xf32, #tpu.memory_space<hbm>>
      %dma_wait3A_245 = tpu.memref_squeeze %dma_wait3A_244 : memref<1x4x16384xf32, #tpu.memory_space<hbm>> -> memref<4x16384xf32, #tpu.memory_space<hbm>>
      %dma_wait3A_246 = arith.constant 0 : i32
      %dma_wait3A_247 = arith.constant 0 : i32
      %dma_wait3A_248 = tpu.memref_slice %arg4[%rem3A_0, %dma_wait3A_246, %dma_wait3A_247] : memref<2x4x16384xf32, #tpu.memory_space<vmem>> -> memref<1x4x16384xf32, #tpu.memory_space<vmem>>
      %dma_wait3A_249 = tpu.memref_squeeze %dma_wait3A_248 : memref<1x4x16384xf32, #tpu.memory_space<vmem>> -> memref<4x16384xf32, #tpu.memory_space<vmem>>
      tpu.wait_dma2 semaphore(%dma_wait3A_242 : memref<!tpu.dma_semaphore, #tpu.memory_space<semaphore_mem>>) src(%dma_wait3A_249 : memref<4x16384xf32, #tpu.memory_space<vmem>>) dst(%dma_wait3A_245 : memref<4x16384xf32, #tpu.memory_space<hbm>>)
      %dma_wait3A_250 = arith.constant 8 : i32
      %dma_wait3A_251 = tpu.memref_slice %arg5[%rem3A_0] : memref<2x!tpu.dma_semaphore, #tpu.memory_space<semaphore_mem>> -> memref<1x!tpu.dma_semaphore, #tpu.memory_space<semaphore_mem>>
      %dma_wait3A_252 = tpu.memref_squeeze %dma_wait3A_251 : memref<1x!tpu.dma_semaphore, #tpu.memory_space<semaphore_mem>> -> memref<!tpu.dma_semaphore, #tpu.memory_space<semaphore_mem>>
      %dma_wait3A_253 = arith.constant 0 : i32
      %dma_wait3A_254 = tpu.memref_slice %arg2[%dma_wait3A_250, %dma_wait3A_253, %mul3A_168] : memref<10x4x131072xf32, #tpu.memory_space<hbm>> -> memref<1x4x16384xf32, #tpu.memory_space<hbm>>
      %dma_wait3A_255 = tpu.memref_squeeze %dma_wait3A_254 : memref<1x4x16384xf32, #tpu.memory_space<hbm>> -> memref<4x16384xf32, #tpu.memory_space<hbm>>
      %dma_wait3A_256 = arith.constant 0 : i32
      %dma_wait3A_257 = arith.constant 0 : i32
      %dma_wait3A_258 = tpu.memref_slice %arg4[%rem3A_0, %dma_wait3A_256, %dma_wait3A_257] : memref<2x4x16384xf32, #tpu.memory_space<vmem>> -> memref<1x4x16384xf32, #tpu.memory_space<vmem>>
      %dma_wait3A_259 = tpu.memref_squeeze %dma_wait3A_258 : memref<1x4x16384xf32, #tpu.memory_space<vmem>> -> memref<4x16384xf32, #tpu.memory_space<vmem>>
      tpu.wait_dma2 semaphore(%dma_wait3A_252 : memref<!tpu.dma_semaphore, #tpu.memory_space<semaphore_mem>>) src(%dma_wait3A_259 : memref<4x16384xf32, #tpu.memory_space<vmem>>) dst(%dma_wait3A_255 : memref<4x16384xf32, #tpu.memory_space<hbm>>)
      %dma_wait3A_260 = arith.constant 9 : i32
      %dma_wait3A_261 = tpu.memref_slice %arg5[%rem3A_0] : memref<2x!tpu.dma_semaphore, #tpu.memory_space<semaphore_mem>> -> memref<1x!tpu.dma_semaphore, #tpu.memory_space<semaphore_mem>>
      %dma_wait3A_262 = tpu.memref_squeeze %dma_wait3A_261 : memref<1x!tpu.dma_semaphore, #tpu.memory_space<semaphore_mem>> -> memref<!tpu.dma_semaphore, #tpu.memory_space<semaphore_mem>>
      %dma_wait3A_263 = arith.constant 0 : i32
      %dma_wait3A_264 = tpu.memref_slice %arg2[%dma_wait3A_260, %dma_wait3A_263, %mul3A_170] : memref<10x4x131072xf32, #tpu.memory_space<hbm>> -> memref<1x4x16384xf32, #tpu.memory_space<hbm>>
      %dma_wait3A_265 = tpu.memref_squeeze %dma_wait3A_264 : memref<1x4x16384xf32, #tpu.memory_space<hbm>> -> memref<4x16384xf32, #tpu.memory_space<hbm>>
      %dma_wait3A_266 = arith.constant 0 : i32
      %dma_wait3A_267 = arith.constant 0 : i32
      %dma_wait3A_268 = tpu.memref_slice %arg4[%rem3A_0, %dma_wait3A_266, %dma_wait3A_267] : memref<2x4x16384xf32, #tpu.memory_space<vmem>> -> memref<1x4x16384xf32, #tpu.memory_space<vmem>>
      %dma_wait3A_269 = tpu.memref_squeeze %dma_wait3A_268 : memref<1x4x16384xf32, #tpu.memory_space<vmem>> -> memref<4x16384xf32, #tpu.memory_space<vmem>>
      tpu.wait_dma2 semaphore(%dma_wait3A_262 : memref<!tpu.dma_semaphore, #tpu.memory_space<semaphore_mem>>) src(%dma_wait3A_269 : memref<4x16384xf32, #tpu.memory_space<vmem>>) dst(%dma_wait3A_265 : memref<4x16384xf32, #tpu.memory_space<hbm>>)
      %sub3A = arith.constant 1 : i32
      %sub3A_270 = arith.subi %sub3A, %rem3A_0 : i32
      %mul3A_271 = arith.constant 16384 : i32
      %mul3A_272 = arith.muli %arg0, %mul3A_271 : i32
      %mul3A_273 = arith.constant 16384 : i32
      %mul3A_274 = arith.muli %arg0, %mul3A_273 : i32
      %mul3A_275 = arith.constant 16384 : i32
      %mul3A_276 = arith.muli %arg0, %mul3A_275 : i32
      %mul3A_277 = arith.constant 16384 : i32
      %mul3A_278 = arith.muli %arg0, %mul3A_277 : i32
      %mul3A_279 = arith.constant 16384 : i32
      %mul3A_280 = arith.muli %arg0, %mul3A_279 : i32
      %mul3A_281 = arith.constant 16384 : i32
      %mul3A_282 = arith.muli %arg0, %mul3A_281 : i32
      %mul3A_283 = arith.constant 16384 : i32
      %mul3A_284 = arith.muli %arg0, %mul3A_283 : i32
      %mul3A_285 = arith.constant 16384 : i32
      %mul3A_286 = arith.muli %arg0, %mul3A_285 : i32
      %mul3A_287 = arith.constant 16384 : i32
      %mul3A_288 = arith.muli %arg0, %mul3A_287 : i32
      %mul3A_289 = arith.constant 16384 : i32
      %mul3A_290 = arith.muli %arg0, %mul3A_289 : i32
      %dma_wait3A_291 = arith.constant 0 : i32
      %dma_wait3A_292 = tpu.memref_slice %arg5[%sub3A_270] : memref<2x!tpu.dma_semaphore, #tpu.memory_space<semaphore_mem>> -> memref<1x!tpu.dma_semaphore, #tpu.memory_space<semaphore_mem>>
      %dma_wait3A_293 = tpu.memref_squeeze %dma_wait3A_292 : memref<1x!tpu.dma_semaphore, #tpu.memory_space<semaphore_mem>> -> memref<!tpu.dma_semaphore, #tpu.memory_space<semaphore_mem>>
      %dma_wait3A_294 = arith.constant 0 : i32
      %dma_wait3A_295 = tpu.memref_slice %arg2[%dma_wait3A_291, %dma_wait3A_294, %mul3A_272] : memref<10x4x131072xf32, #tpu.memory_space<hbm>> -> memref<1x4x16384xf32, #tpu.memory_space<hbm>>
      %dma_wait3A_296 = tpu.memref_squeeze %dma_wait3A_295 : memref<1x4x16384xf32, #tpu.memory_space<hbm>> -> memref<4x16384xf32, #tpu.memory_space<hbm>>
      %dma_wait3A_297 = arith.constant 0 : i32
      %dma_wait3A_298 = arith.constant 0 : i32
      %dma_wait3A_299 = tpu.memref_slice %arg4[%sub3A_270, %dma_wait3A_297, %dma_wait3A_298] : memref<2x4x16384xf32, #tpu.memory_space<vmem>> -> memref<1x4x16384xf32, #tpu.memory_space<vmem>>
      %dma_wait3A_300 = tpu.memref_squeeze %dma_wait3A_299 : memref<1x4x16384xf32, #tpu.memory_space<vmem>> -> memref<4x16384xf32, #tpu.memory_space<vmem>>
      tpu.wait_dma2 semaphore(%dma_wait3A_293 : memref<!tpu.dma_semaphore, #tpu.memory_space<semaphore_mem>>) src(%dma_wait3A_300 : memref<4x16384xf32, #tpu.memory_space<vmem>>) dst(%dma_wait3A_296 : memref<4x16384xf32, #tpu.memory_space<hbm>>)
      %dma_wait3A_301 = arith.constant 1 : i32
      %dma_wait3A_302 = tpu.memref_slice %arg5[%sub3A_270] : memref<2x!tpu.dma_semaphore, #tpu.memory_space<semaphore_mem>> -> memref<1x!tpu.dma_semaphore, #tpu.memory_space<semaphore_mem>>
      %dma_wait3A_303 = tpu.memref_squeeze %dma_wait3A_302 : memref<1x!tpu.dma_semaphore, #tpu.memory_space<semaphore_mem>> -> memref<!tpu.dma_semaphore, #tpu.memory_space<semaphore_mem>>
      %dma_wait3A_304 = arith.constant 0 : i32
      %dma_wait3A_305 = tpu.memref_slice %arg2[%dma_wait3A_301, %dma_wait3A_304, %mul3A_274] : memref<10x4x131072xf32, #tpu.memory_space<hbm>> -> memref<1x4x16384xf32, #tpu.memory_space<hbm>>
      %dma_wait3A_306 = tpu.memref_squeeze %dma_wait3A_305 : memref<1x4x16384xf32, #tpu.memory_space<hbm>> -> memref<4x16384xf32, #tpu.memory_space<hbm>>
      %dma_wait3A_307 = arith.constant 0 : i32
      %dma_wait3A_308 = arith.constant 0 : i32
      %dma_wait3A_309 = tpu.memref_slice %arg4[%sub3A_270, %dma_wait3A_307, %dma_wait3A_308] : memref<2x4x16384xf32, #tpu.memory_space<vmem>> -> memref<1x4x16384xf32, #tpu.memory_space<vmem>>
      %dma_wait3A_310 = tpu.memref_squeeze %dma_wait3A_309 : memref<1x4x16384xf32, #tpu.memory_space<vmem>> -> memref<4x16384xf32, #tpu.memory_space<vmem>>
      tpu.wait_dma2 semaphore(%dma_wait3A_303 : memref<!tpu.dma_semaphore, #tpu.memory_space<semaphore_mem>>) src(%dma_wait3A_310 : memref<4x16384xf32, #tpu.memory_space<vmem>>) dst(%dma_wait3A_306 : memref<4x16384xf32, #tpu.memory_space<hbm>>)
      %dma_wait3A_311 = arith.constant 2 : i32
      %dma_wait3A_312 = tpu.memref_slice %arg5[%sub3A_270] : memref<2x!tpu.dma_semaphore, #tpu.memory_space<semaphore_mem>> -> memref<1x!tpu.dma_semaphore, #tpu.memory_space<semaphore_mem>>
      %dma_wait3A_313 = tpu.memref_squeeze %dma_wait3A_312 : memref<1x!tpu.dma_semaphore, #tpu.memory_space<semaphore_mem>> -> memref<!tpu.dma_semaphore, #tpu.memory_space<semaphore_mem>>
      %dma_wait3A_314 = arith.constant 0 : i32
      %dma_wait3A_315 = tpu.memref_slice %arg2[%dma_wait3A_311, %dma_wait3A_314, %mul3A_276] : memref<10x4x131072xf32, #tpu.memory_space<hbm>> -> memref<1x4x16384xf32, #tpu.memory_space<hbm>>
      %dma_wait3A_316 = tpu.memref_squeeze %dma_wait3A_315 : memref<1x4x16384xf32, #tpu.memory_space<hbm>> -> memref<4x16384xf32, #tpu.memory_space<hbm>>
      %dma_wait3A_317 = arith.constant 0 : i32
      %dma_wait3A_318 = arith.constant 0 : i32
      %dma_wait3A_319 = tpu.memref_slice %arg4[%sub3A_270, %dma_wait3A_317, %dma_wait3A_318] : memref<2x4x16384xf32, #tpu.memory_space<vmem>> -> memref<1x4x16384xf32, #tpu.memory_space<vmem>>
      %dma_wait3A_320 = tpu.memref_squeeze %dma_wait3A_319 : memref<1x4x16384xf32, #tpu.memory_space<vmem>> -> memref<4x16384xf32, #tpu.memory_space<vmem>>
      tpu.wait_dma2 semaphore(%dma_wait3A_313 : memref<!tpu.dma_semaphore, #tpu.memory_space<semaphore_mem>>) src(%dma_wait3A_320 : memref<4x16384xf32, #tpu.memory_space<vmem>>) dst(%dma_wait3A_316 : memref<4x16384xf32, #tpu.memory_space<hbm>>)
      %dma_wait3A_321 = arith.constant 3 : i32
      %dma_wait3A_322 = tpu.memref_slice %arg5[%sub3A_270] : memref<2x!tpu.dma_semaphore, #tpu.memory_space<semaphore_mem>> -> memref<1x!tpu.dma_semaphore, #tpu.memory_space<semaphore_mem>>
      %dma_wait3A_323 = tpu.memref_squeeze %dma_wait3A_322 : memref<1x!tpu.dma_semaphore, #tpu.memory_space<semaphore_mem>> -> memref<!tpu.dma_semaphore, #tpu.memory_space<semaphore_mem>>
      %dma_wait3A_324 = arith.constant 0 : i32
      %dma_wait3A_325 = tpu.memref_slice %arg2[%dma_wait3A_321, %dma_wait3A_324, %mul3A_278] : memref<10x4x131072xf32, #tpu.memory_space<hbm>> -> memref<1x4x16384xf32, #tpu.memory_space<hbm>>
      %dma_wait3A_326 = tpu.memref_squeeze %dma_wait3A_325 : memref<1x4x16384xf32, #tpu.memory_space<hbm>> -> memref<4x16384xf32, #tpu.memory_space<hbm>>
      %dma_wait3A_327 = arith.constant 0 : i32
      %dma_wait3A_328 = arith.constant 0 : i32
      %dma_wait3A_329 = tpu.memref_slice %arg4[%sub3A_270, %dma_wait3A_327, %dma_wait3A_328] : memref<2x4x16384xf32, #tpu.memory_space<vmem>> -> memref<1x4x16384xf32, #tpu.memory_space<vmem>>
      %dma_wait3A_330 = tpu.memref_squeeze %dma_wait3A_329 : memref<1x4x16384xf32, #tpu.memory_space<vmem>> -> memref<4x16384xf32, #tpu.memory_space<vmem>>
      tpu.wait_dma2 semaphore(%dma_wait3A_323 : memref<!tpu.dma_semaphore, #tpu.memory_space<semaphore_mem>>) src(%dma_wait3A_330 : memref<4x16384xf32, #tpu.memory_space<vmem>>) dst(%dma_wait3A_326 : memref<4x16384xf32, #tpu.memory_space<hbm>>)
      %dma_wait3A_331 = arith.constant 4 : i32
      %dma_wait3A_332 = tpu.memref_slice %arg5[%sub3A_270] : memref<2x!tpu.dma_semaphore, #tpu.memory_space<semaphore_mem>> -> memref<1x!tpu.dma_semaphore, #tpu.memory_space<semaphore_mem>>
      %dma_wait3A_333 = tpu.memref_squeeze %dma_wait3A_332 : memref<1x!tpu.dma_semaphore, #tpu.memory_space<semaphore_mem>> -> memref<!tpu.dma_semaphore, #tpu.memory_space<semaphore_mem>>
      %dma_wait3A_334 = arith.constant 0 : i32
      %dma_wait3A_335 = tpu.memref_slice %arg2[%dma_wait3A_331, %dma_wait3A_334, %mul3A_280] : memref<10x4x131072xf32, #tpu.memory_space<hbm>> -> memref<1x4x16384xf32, #tpu.memory_space<hbm>>
      %dma_wait3A_336 = tpu.memref_squeeze %dma_wait3A_335 : memref<1x4x16384xf32, #tpu.memory_space<hbm>> -> memref<4x16384xf32, #tpu.memory_space<hbm>>
      %dma_wait3A_337 = arith.constant 0 : i32
      %dma_wait3A_338 = arith.constant 0 : i32
      %dma_wait3A_339 = tpu.memref_slice %arg4[%sub3A_270, %dma_wait3A_337, %dma_wait3A_338] : memref<2x4x16384xf32, #tpu.memory_space<vmem>> -> memref<1x4x16384xf32, #tpu.memory_space<vmem>>
      %dma_wait3A_340 = tpu.memref_squeeze %dma_wait3A_339 : memref<1x4x16384xf32, #tpu.memory_space<vmem>> -> memref<4x16384xf32, #tpu.memory_space<vmem>>
      tpu.wait_dma2 semaphore(%dma_wait3A_333 : memref<!tpu.dma_semaphore, #tpu.memory_space<semaphore_mem>>) src(%dma_wait3A_340 : memref<4x16384xf32, #tpu.memory_space<vmem>>) dst(%dma_wait3A_336 : memref<4x16384xf32, #tpu.memory_space<hbm>>)
      %dma_wait3A_341 = arith.constant 5 : i32
      %dma_wait3A_342 = tpu.memref_slice %arg5[%sub3A_270] : memref<2x!tpu.dma_semaphore, #tpu.memory_space<semaphore_mem>> -> memref<1x!tpu.dma_semaphore, #tpu.memory_space<semaphore_mem>>
      %dma_wait3A_343 = tpu.memref_squeeze %dma_wait3A_342 : memref<1x!tpu.dma_semaphore, #tpu.memory_space<semaphore_mem>> -> memref<!tpu.dma_semaphore, #tpu.memory_space<semaphore_mem>>
      %dma_wait3A_344 = arith.constant 0 : i32
      %dma_wait3A_345 = tpu.memref_slice %arg2[%dma_wait3A_341, %dma_wait3A_344, %mul3A_282] : memref<10x4x131072xf32, #tpu.memory_space<hbm>> -> memref<1x4x16384xf32, #tpu.memory_space<hbm>>
      %dma_wait3A_346 = tpu.memref_squeeze %dma_wait3A_345 : memref<1x4x16384xf32, #tpu.memory_space<hbm>> -> memref<4x16384xf32, #tpu.memory_space<hbm>>
      %dma_wait3A_347 = arith.constant 0 : i32
      %dma_wait3A_348 = arith.constant 0 : i32
      %dma_wait3A_349 = tpu.memref_slice %arg4[%sub3A_270, %dma_wait3A_347, %dma_wait3A_348] : memref<2x4x16384xf32, #tpu.memory_space<vmem>> -> memref<1x4x16384xf32, #tpu.memory_space<vmem>>
      %dma_wait3A_350 = tpu.memref_squeeze %dma_wait3A_349 : memref<1x4x16384xf32, #tpu.memory_space<vmem>> -> memref<4x16384xf32, #tpu.memory_space<vmem>>
      tpu.wait_dma2 semaphore(%dma_wait3A_343 : memref<!tpu.dma_semaphore, #tpu.memory_space<semaphore_mem>>) src(%dma_wait3A_350 : memref<4x16384xf32, #tpu.memory_space<vmem>>) dst(%dma_wait3A_346 : memref<4x16384xf32, #tpu.memory_space<hbm>>)
      %dma_wait3A_351 = arith.constant 6 : i32
      %dma_wait3A_352 = tpu.memref_slice %arg5[%sub3A_270] : memref<2x!tpu.dma_semaphore, #tpu.memory_space<semaphore_mem>> -> memref<1x!tpu.dma_semaphore, #tpu.memory_space<semaphore_mem>>
      %dma_wait3A_353 = tpu.memref_squeeze %dma_wait3A_352 : memref<1x!tpu.dma_semaphore, #tpu.memory_space<semaphore_mem>> -> memref<!tpu.dma_semaphore, #tpu.memory_space<semaphore_mem>>
      %dma_wait3A_354 = arith.constant 0 : i32
      %dma_wait3A_355 = tpu.memref_slice %arg2[%dma_wait3A_351, %dma_wait3A_354, %mul3A_284] : memref<10x4x131072xf32, #tpu.memory_space<hbm>> -> memref<1x4x16384xf32, #tpu.memory_space<hbm>>
      %dma_wait3A_356 = tpu.memref_squeeze %dma_wait3A_355 : memref<1x4x16384xf32, #tpu.memory_space<hbm>> -> memref<4x16384xf32, #tpu.memory_space<hbm>>
      %dma_wait3A_357 = arith.constant 0 : i32
      %dma_wait3A_358 = arith.constant 0 : i32
      %dma_wait3A_359 = tpu.memref_slice %arg4[%sub3A_270, %dma_wait3A_357, %dma_wait3A_358] : memref<2x4x16384xf32, #tpu.memory_space<vmem>> -> memref<1x4x16384xf32, #tpu.memory_space<vmem>>
      %dma_wait3A_360 = tpu.memref_squeeze %dma_wait3A_359 : memref<1x4x16384xf32, #tpu.memory_space<vmem>> -> memref<4x16384xf32, #tpu.memory_space<vmem>>
      tpu.wait_dma2 semaphore(%dma_wait3A_353 : memref<!tpu.dma_semaphore, #tpu.memory_space<semaphore_mem>>) src(%dma_wait3A_360 : memref<4x16384xf32, #tpu.memory_space<vmem>>) dst(%dma_wait3A_356 : memref<4x16384xf32, #tpu.memory_space<hbm>>)
      %dma_wait3A_361 = arith.constant 7 : i32
      %dma_wait3A_362 = tpu.memref_slice %arg5[%sub3A_270] : memref<2x!tpu.dma_semaphore, #tpu.memory_space<semaphore_mem>> -> memref<1x!tpu.dma_semaphore, #tpu.memory_space<semaphore_mem>>
      %dma_wait3A_363 = tpu.memref_squeeze %dma_wait3A_362 : memref<1x!tpu.dma_semaphore, #tpu.memory_space<semaphore_mem>> -> memref<!tpu.dma_semaphore, #tpu.memory_space<semaphore_mem>>
      %dma_wait3A_364 = arith.constant 0 : i32
      %dma_wait3A_365 = tpu.memref_slice %arg2[%dma_wait3A_361, %dma_wait3A_364, %mul3A_286] : memref<10x4x131072xf32, #tpu.memory_space<hbm>> -> memref<1x4x16384xf32, #tpu.memory_space<hbm>>
      %dma_wait3A_366 = tpu.memref_squeeze %dma_wait3A_365 : memref<1x4x16384xf32, #tpu.memory_space<hbm>> -> memref<4x16384xf32, #tpu.memory_space<hbm>>
      %dma_wait3A_367 = arith.constant 0 : i32
      %dma_wait3A_368 = arith.constant 0 : i32
      %dma_wait3A_369 = tpu.memref_slice %arg4[%sub3A_270, %dma_wait3A_367, %dma_wait3A_368] : memref<2x4x16384xf32, #tpu.memory_space<vmem>> -> memref<1x4x16384xf32, #tpu.memory_space<vmem>>
      %dma_wait3A_370 = tpu.memref_squeeze %dma_wait3A_369 : memref<1x4x16384xf32, #tpu.memory_space<vmem>> -> memref<4x16384xf32, #tpu.memory_space<vmem>>
      tpu.wait_dma2 semaphore(%dma_wait3A_363 : memref<!tpu.dma_semaphore, #tpu.memory_space<semaphore_mem>>) src(%dma_wait3A_370 : memref<4x16384xf32, #tpu.memory_space<vmem>>) dst(%dma_wait3A_366 : memref<4x16384xf32, #tpu.memory_space<hbm>>)
      %dma_wait3A_371 = arith.constant 8 : i32
      %dma_wait3A_372 = tpu.memref_slice %arg5[%sub3A_270] : memref<2x!tpu.dma_semaphore, #tpu.memory_space<semaphore_mem>> -> memref<1x!tpu.dma_semaphore, #tpu.memory_space<semaphore_mem>>
      %dma_wait3A_373 = tpu.memref_squeeze %dma_wait3A_372 : memref<1x!tpu.dma_semaphore, #tpu.memory_space<semaphore_mem>> -> memref<!tpu.dma_semaphore, #tpu.memory_space<semaphore_mem>>
      %dma_wait3A_374 = arith.constant 0 : i32
      %dma_wait3A_375 = tpu.memref_slice %arg2[%dma_wait3A_371, %dma_wait3A_374, %mul3A_288] : memref<10x4x131072xf32, #tpu.memory_space<hbm>> -> memref<1x4x16384xf32, #tpu.memory_space<hbm>>
      %dma_wait3A_376 = tpu.memref_squeeze %dma_wait3A_375 : memref<1x4x16384xf32, #tpu.memory_space<hbm>> -> memref<4x16384xf32, #tpu.memory_space<hbm>>
      %dma_wait3A_377 = arith.constant 0 : i32
      %dma_wait3A_378 = arith.constant 0 : i32
      %dma_wait3A_379 = tpu.memref_slice %arg4[%sub3A_270, %dma_wait3A_377, %dma_wait3A_378] : memref<2x4x16384xf32, #tpu.memory_space<vmem>> -> memref<1x4x16384xf32, #tpu.memory_space<vmem>>
      %dma_wait3A_380 = tpu.memref_squeeze %dma_wait3A_379 : memref<1x4x16384xf32, #tpu.memory_space<vmem>> -> memref<4x16384xf32, #tpu.memory_space<vmem>>
      tpu.wait_dma2 semaphore(%dma_wait3A_373 : memref<!tpu.dma_semaphore, #tpu.memory_space<semaphore_mem>>) src(%dma_wait3A_380 : memref<4x16384xf32, #tpu.memory_space<vmem>>) dst(%dma_wait3A_376 : memref<4x16384xf32, #tpu.memory_space<hbm>>)
      %dma_wait3A_381 = arith.constant 9 : i32
      %dma_wait3A_382 = tpu.memref_slice %arg5[%sub3A_270] : memref<2x!tpu.dma_semaphore, #tpu.memory_space<semaphore_mem>> -> memref<1x!tpu.dma_semaphore, #tpu.memory_space<semaphore_mem>>
      %dma_wait3A_383 = tpu.memref_squeeze %dma_wait3A_382 : memref<1x!tpu.dma_semaphore, #tpu.memory_space<semaphore_mem>> -> memref<!tpu.dma_semaphore, #tpu.memory_space<semaphore_mem>>
      %dma_wait3A_384 = arith.constant 0 : i32
      %dma_wait3A_385 = tpu.memref_slice %arg2[%dma_wait3A_381, %dma_wait3A_384, %mul3A_290] : memref<10x4x131072xf32, #tpu.memory_space<hbm>> -> memref<1x4x16384xf32, #tpu.memory_space<hbm>>
      %dma_wait3A_386 = tpu.memref_squeeze %dma_wait3A_385 : memref<1x4x16384xf32, #tpu.memory_space<hbm>> -> memref<4x16384xf32, #tpu.memory_space<hbm>>
      %dma_wait3A_387 = arith.constant 0 : i32
      %dma_wait3A_388 = arith.constant 0 : i32
      %dma_wait3A_389 = tpu.memref_slice %arg4[%sub3A_270, %dma_wait3A_387, %dma_wait3A_388] : memref<2x4x16384xf32, #tpu.memory_space<vmem>> -> memref<1x4x16384xf32, #tpu.memory_space<vmem>>
      %dma_wait3A_390 = tpu.memref_squeeze %dma_wait3A_389 : memref<1x4x16384xf32, #tpu.memory_space<vmem>> -> memref<4x16384xf32, #tpu.memory_space<vmem>>
      tpu.wait_dma2 semaphore(%dma_wait3A_383 : memref<!tpu.dma_semaphore, #tpu.memory_space<semaphore_mem>>) src(%dma_wait3A_390 : memref<4x16384xf32, #tpu.memory_space<vmem>>) dst(%dma_wait3A_386 : memref<4x16384xf32, #tpu.memory_space<hbm>>)
      %get3A_391 = arith.constant 0 : index
      %get3A_392 = arith.constant 0 : index
      %get3A_393 = vector.load %arg6[%get3A_391, %get3A_392] : memref<4x1xf32, #tpu.memory_space<vmem>>, vector<4x1xf32>
      %reduce_sum3A_394 = vector.shape_cast %get3A_393 : vector<4x1xf32> to vector<1x4x1xf32>
      %reduce_sum3A_395 = arith.constant dense<0.000000e+00> : vector<1xf32>
      %reduce_sum3A_396 = vector.multi_reduction <add>, %reduce_sum3A_394, %reduce_sum3A_395 [1, 2] : vector<1x4x1xf32> to vector<1xf32>
      %reduce_sum3A_397 = vector.shape_cast %reduce_sum3A_396 : vector<1xf32> to vector<1x1x1xf32>
      %reduce_sum3A_398 = vector.extract %reduce_sum3A_397[0, 0, 0] : f32 from vector<1x1x1xf32>
      %mul3A_399 = arith.constant 2.000000e+00 : f32
      %mul3A_400 = arith.mulf %reduce_sum3A_398, %mul3A_399 : f32
      %broadcast_in_dim3A_401 = arith.constant 0.000000e+00 : f32
      %broadcast_in_dim3A_402 = vector.broadcast %broadcast_in_dim3A_401 : f32 to vector<1x10xf32>
      %add3A_403 = vector.broadcast %mul3A_400 : f32 to vector<1x10xf32>
      %add3A_404 = arith.addf %broadcast_in_dim3A_402, %add3A_403 : vector<1x10xf32>
      %iota3A_405 = tpu.iota {dimensions = array<i32: 1>} : vector<1x10xi32>
      %convert_element_type3A_406 = arith.sitofp %iota3A_405 : vector<1x10xi32> to vector<1x10xf32>
      %reduce_max3A = vector.shape_cast %add3A_404 : vector<1x10xf32> to vector<1x1x10xf32>
      %reduce_max3A_407 = arith.constant dense<0xFF800000> : vector<1xf32>
      %reduce_max3A_408 = vector.multi_reduction <maximumf>, %reduce_max3A, %reduce_max3A_407 [1, 2] : vector<1x1x10xf32> to vector<1xf32>
      %reduce_max3A_409 = vector.shape_cast %reduce_max3A_408 : vector<1xf32> to vector<1x1x1xf32>
      %reduce_max3A_410 = vector.extract %reduce_max3A_409[0, 0, 0] : f32 from vector<1x1x1xf32>
      %eq3A_411 = vector.broadcast %reduce_max3A_410 : f32 to vector<1x10xf32>
      %eq3A_412 = arith.cmpf oeq, %add3A_404, %eq3A_411 : vector<1x10xf32>
      %jit3A_413 = arith.constant 1.000000e+09 : f32
      %broadcast_in_dim3A_414 = vector.broadcast %jit3A_413 : f32 to vector<1x10xf32>
      %select_n3A_415 = arith.select %eq3A_412, %convert_element_type3A_406, %broadcast_in_dim3A_414 : vector<1x10xi1>, vector<1x10xf32>
      %reduce_min3A = vector.shape_cast %select_n3A_415 : vector<1x10xf32> to vector<1x1x10xf32>
      %reduce_min3A_416 = arith.constant dense<0x7F800000> : vector<1xf32>
      %reduce_min3A_417 = vector.multi_reduction <minimumf>, %reduce_min3A, %reduce_min3A_416 [1, 2] : vector<1x1x10xf32> to vector<1xf32>
      %reduce_min3A_418 = vector.shape_cast %reduce_min3A_417 : vector<1xf32> to vector<1x1x1xf32>
      %reduce_min3A_419 = vector.extract %reduce_min3A_418[0, 0, 0] : f32 from vector<1x1x1xf32>
      %eq3A_420 = vector.broadcast %reduce_min3A_419 : f32 to vector<1x10xf32>
      %eq3A_421 = arith.cmpf oeq, %convert_element_type3A_406, %eq3A_420 : vector<1x10xf32>
      %jit3A_422 = arith.constant 1.000000e+00 : f32
      %jit3A_423 = arith.constant 0.000000e+00 : f32
      %broadcast_in_dim3A_424 = vector.broadcast %jit3A_422 : f32 to vector<1x10xf32>
      %broadcast_in_dim3A_425 = vector.broadcast %jit3A_423 : f32 to vector<1x10xf32>
      %select_n3A_426 = arith.select %eq3A_421, %broadcast_in_dim3A_424, %broadcast_in_dim3A_425 : vector<1x10xi1>, vector<1x10xf32>
      %squeeze3A = vector.shape_cast %select_n3A_426 : vector<1x10xf32> to vector<10xf32>
      %swap3A_427 = arith.constant 0 : index
      %swap3A_428 = vector.load %arg3[%swap3A_427] : memref<10xf32, #tpu.memory_space<vmem>>, vector<10xf32>
      tpu.vector_store %arg3[%swap3A_427], %squeeze3A {strides = array<i32>} : memref<10xf32, #tpu.memory_space<vmem>>, vector<10xf32>,
    } else {
    }
    return
  }
  func.func @transform_0(%arg0: i32) -> i32 {
    %c0_i32 = arith.constant 0 : i32
    return %arg0 : i32
  }
  func.func @transform_2(%arg0: i32) -> i32 {
    %c0_i32 = arith.constant 0 : i32
    %c0_i32_0 = arith.constant 0 : i32
    return %c0_i32 : i32
  }
}

</mosaic_0001>

<sc_bundles>
// kernel: kernel.4.cloned.1.call-start
scs
__scs_entry_jumppad:
0x0: {  	(pc) =	sbr.rel $0x88, $3  }
0x1: {  	(tag) =	ssettag $0x0;
	lr =	simm.s32 $0x1  }
0x2: {  	[smem:$0x3FA0] =	sst lr;
	_ =	strace $0xD0000000  }
0x3: {  	_ = 	snop  }
0x4: {  	_ = 	snop  }
0x5: {  	_ = 	snop  }
0x6: {  	_ = 	snop  }
0x7: {  	_ = 	snop  }
__scs_overlays_trampoline_lowered:
0x8: {  	[smem:$0x3FAF] =	sst s0  }
0x9: {  	[smem:$0x3FB0] =	sst s1  }
0xa: {  	[smem:$0x3FB1] =	sst s2  }
0xb: {  	[smem:$0x3FB2] =	sst s3  }
0xc: {  	[smem:$0x3FB3] =	sst s4  }
0xd: {  	[smem:$0x3FB4] =	sst s5  }
0xe: {  	[smem:$0x3FB5] =	sst s6  }
0xf: {  	[smem:$0x3FB6] =	sst s7  }
0x10: {  	[smem:$0x3FB7] =	sst s8  }
0x11: {  	[smem:$0x3FB8] =	sst s9;
	s0 =	simm.s32 @!p0 $0x0  }
0x12: {  	s1 =	sld [smem:$0x3F9E];
	s0 =	simm.s32 @p0 $0x1  }
0x13: {  	[smem:$0x3FB9] =	sst s0;
	s0 =	simm.s32 @!p1 $0x0  }
0x14: {  	s2 =	sld [smem:$0x3F9D];
	s0 =	simm.s32 @p1 $0x1  }
0x15: {  	[smem:$0x3FBA] =	sst s0;
	s0 =	simm.s32 @!p2 $0x0  }
0x16: {  	s3 =	sld [smem:$0x3FDB];
	s0 =	simm.s32 @p2 $0x1  }
0x17: {  	s4 =	simm.s32 $0x1BF5;
	[smem:$0x3FBC] =	sst s0  }
0x18: {  	s0 =	sld [smem:$0x3F9F];
	_ =	swait.ge [sflag:s4], $0x0  }
0x19: {  	s7 =	sld [smem:$0x3FA0]  }
0x1a: {  	s8 =	sadd.s32 $0xFFFFE003, lr  }
0x1b: {  	s9 =	sadd.s32 $0xFFFFFEF7, lr;
	s5 =	simm.s32 $0xFFFFFFFF;
	p2 =	slt.u32 s8, $0xFFFFF086  }
0x1c: {  	p1 =	slt.u32 s9, $0xF7A;
	s5 =	simm.s32 @!p2 $0x0  }
0x1d: {  	s5 =	simm.s32 @p1 $0x1;
	p0 =	seq.s32 s7, s2  }
0x1e: {  	s7 =	smul.u32 @!p0 $0xF7A, s2;
	p2 =	seq.s32 @!p0 s5, $0x0  }
0x1f: {  	s9 =	smul.u32 $0xF7A, s1;
	s8 =	simm.s32 @!p0 $0x1BF5;
	p2 =	por !p2, p0  }
0x20: {  	[sflag:s8] =	ssyncset.s32 @!p0 $0xFFFFF086;
	s6 =	sadd.s32 @!p0 s3, s7;
	s7 =	simm.s32 @!p0 $0x108  }
0x21: {  	s3 =	sadd.s32 s3, s9;
	s6 =	sadd.s32 @!p0 $0x88, s6;
	s7 =	simm.s32 @p2 $0x1082  }
0x22: {  	[simem:s7], [sflag:s8] =	dma.local @!p0 [hbm:s6], $0xF7A  }
0x23: {  	s9 =	sor.u32 $0xD0000000, s2;
	s6 =	simm.s32 $0x108;
	_ =	swait.ge @!p0 [sflag:s8], $0x0  }
0x24: {  	s3 =	sadd.s32 $0x88, s3;
	s6 =	simm.s32 @!p1 $0x1082;
	[sflag:s4] =	ssyncset.s32 $0xFFFFF086  }
0x25: {  	[simem:s6], [sflag:s4] =	dma.local [hbm:s3], $0xF7A  }
0x26: {  	[smem:$0x3FA0] =	sst s1;
	(tag) =	ssettag s2;
	_ =	strace s9  }
0x27: {  	s1 =	sld [smem:$0x3FB0]  }
0x28: {  	s2 =	sld [smem:$0x3FB1]  }
0x29: {  	s4 =	sld [smem:$0x3FB3]  }
0x2a: {  	p0 =	seq.s32 s5, $0x0;
	s5 =	sld [smem:$0x3FB4]  }
0x2b: {  	s6 =	sld [smem:$0x3FB5]  }
0x2c: {  	s7 =	sld [smem:$0x3FB6]  }
0x2d: {  	s3 =	simm.s32 $0x108;
	s8 =	sld [smem:$0x3FB7]  }
0x2e: {  	s3 =	simm.s32 @!p0 $0x1082;
	s9 =	sld [smem:$0x3FB8]  }
0x2f: {  	lr =	sadd.s32 s0, s3;
	s0 =	sld [smem:$0x3FAF]  }
0x30: {  	s3 =	sld [smem:$0x3FB2]  }
0x31: {  	[smem:$0x3FBB] =	sst s10  }
0x32: {  	s10 =	sld [smem:$0x3FB9];
	_ =	sdelay $0x3  }
0x33: {  	p0 =	seq.s32 s10, $0x1;
	s10 =	sld [smem:$0x3FBB];
	_ =	sdelay $0x3  }
0x34: {  	[smem:$0x3FBB] =	sst s10  }
0x35: {  	s10 =	sld [smem:$0x3FBA];
	_ =	sdelay $0x3  }
0x36: {  	p1 =	seq.s32 s10, $0x1;
	s10 =	sld [smem:$0x3FBB];
	_ =	sdelay $0x3  }
0x37: {  	[smem:$0x3FBB] =	sst s10  }
0x38: {  	s10 =	sld [smem:$0x3FBC]  }
0x39: {  	_ = 	snop;
	(pc) =	sbr.ind lr, $3  }
0x3a: {  	_ = 	snop  }
0x3b: {  	_ = 	snop  }
0x3c: {  	p2 =	seq.s32 s10, $0x1;
	s10 =	sld [smem:$0x3FBB]  }
0x3d: {  	_ =	shalt  }
0x3e: {  	_ =	shalt  }
0x3f: {  	_ =	shalt  }
0x40: {  	_ =	shalt  }
0x41: {  	_ =	shalt  }
0x42: {  	_ =	shalt  }
0x43: {  	_ =	shalt  }
0x44: {  	_ =	shalt  }
0x45: {  	_ =	shalt  }
0x46: {  	_ =	shalt  }
0x47: {  	_ =	shalt  }
0x48: {  	_ =	shalt  }
0x49: {  	_ =	shalt  }
0x4a: {  	_ =	shalt  }
0x4b: {  	_ =	shalt  }
0x4c: {  	_ =	shalt  }
0x4d: {  	_ =	shalt  }
0x4e: {  	_ =	shalt  }
0x4f: {  	_ =	shalt  }
0x50: {  	_ =	shalt  }
0x51: {  	_ =	shalt  }
0x52: {  	_ =	shalt  }
0x53: {  	_ =	shalt  }
0x54: {  	_ =	shalt  }
0x55: {  	_ =	shalt  }
0x56: {  	_ =	shalt  }
0x57: {  	_ =	shalt  }
0x58: {  	_ =	shalt  }
0x59: {  	_ =	shalt  }
0x5a: {  	_ =	shalt  }
0x5b: {  	_ =	shalt  }
0x5c: {  	_ =	shalt  }
0x5d: {  	_ =	shalt  }
0x5e: {  	_ =	shalt  }
0x5f: {  	_ =	shalt  }
0x60: {  	_ =	shalt  }
0x61: {  	_ =	shalt  }
0x62: {  	_ =	shalt  }
0x63: {  	_ =	shalt  }
0x64: {  	_ =	shalt  }
0x65: {  	_ =	shalt  }
0x66: {  	_ =	shalt  }
0x67: {  	_ =	shalt  }
0x68: {  	_ =	shalt  }
0x69: {  	_ =	shalt  }
0x6a: {  	_ =	shalt  }
0x6b: {  	_ =	shalt  }
0x6c: {  	_ =	shalt  }
0x6d: {  	_ =	shalt  }
0x6e: {  	_ =	shalt  }
0x6f: {  	_ =	shalt  }
0x70: {  	_ =	shalt  }
0x71: {  	_ =	shalt  }
0x72: {  	_ =	shalt  }
0x73: {  	_ =	shalt  }
0x74: {  	_ =	shalt  }
0x75: {  	_ =	shalt  }
0x76: {  	_ =	shalt  }
0x77: {  	_ =	shalt  }
0x78: {  	_ =	shalt  }
0x79: {  	_ =	shalt  }
0x7a: {  	_ =	shalt  }
0x7b: {  	_ =	shalt  }
0x7c: {  	_ =	shalt  }
0x7d: {  	_ =	shalt  }
0x7e: {  	_ =	shalt  }
0x7f: {  	_ =	shalt  }
0x80: {  	_ =	shalt  }
0x81: {  	_ =	shalt  }
0x82: {  	_ =	shalt  }
0x83: {  	_ =	shalt  }
0x84: {  	_ =	shalt  }
0x85: {  	_ =	shalt  }
0x86: {  	_ =	shalt  }
0x87: {  	_ =	shalt  }
.Lfunc_end0:
.L_simem_size_0:
called_computation_lowered:
.L_overlay_start_0:
0x88: {  	s2 =	sld [smem:$0x3FD9]  }
0x89: {  	s3 =	sld [smem:$0x3FFE];
	_ =	sdelay $0x1  }
0x8a: {  	s1 =	srdreg.scid  }
0x8b: {  	s0 =	sand.u32 $0x1, s1  }
0x8c: {  	s14 =	sshll.u32 s0, $0xA;
	s2 =	sadd.s32 s3, s2  }
0x8d: {  	s2 =	sadd.s32 s2, s14  }
0x8e: {  	[smem:$0x3FC7] =	sst s2  }
0x8f: {  	_ = 	snop  }
0x90: {  	s2 =	sld [smem:$0x3FD0];
	_ =	sdelay $0x2  }
0x91: {  	s15 =	simm.s32 $0xA;
	s4 =	simm.s32 $0x10  }
0x92: {  	[smem:s4], [sflag:s15] =	dma.local [hbm:s2], $0x1  }
0x93: {  	_ =	swait.eq [sflag:s15], $0x1  }
0x94: {  	[sflag:s15] =	ssyncset.done $0x0  }
0x95: {  	[sflag:s15] =	ssyncadd.s32 $0xFFFFFFFF  }
0x96: {  	s16 =	sld [smem:$0x12];
	(tm) =	ssettm $0x1  }
0x97: {  	s17 =	sld [smem:$0x3FFB];
	_ =	sdelay $0x3  }
0x98: {  	_ =	strace s17  }
0x99: {  	s3 =	sld [smem:$0x3FFC];
	_ =	sdelay $0x3  }
0x9a: {  	_ =	strace s3  }
0x9b: {  	s3 =	sld [smem:$0x3FFD];
	_ =	sdelay $0x3  }
0x9c: {  	_ =	strace s3  }
0x9d: {  	_ =	strace $0x8FFFFFFF  }
0x9e: {  	s18 =	sld [smem:$0x3FDB];
	_ =	sdelay $0x1  }
0x9f: {  	s19 =	simm.s32 $_scs_section_size  }
0xa0: {  	s5 =	simm.s32 $_size__tile_overlayer_lowered;
	s6 =	simm.s32 $_tile_overlayer_lowered  }
0xa1: {  	s22 =	simm.s32 $0x1BFF;
	s21 =	sshll.u32 s6, $0x1;
	s3 =	sadd.s32 s19, s18  }
0xa2: {  	s7 =	simm.s32 $0x0;
	s20 =	sshll.u32 s5, $0x1;
	s5 =	sadd.s32 s21, s3  }
0xa3: {  	[timem:s7], [sflag:s22] =	dma.local [hbm:s5], s20  }
0xa4: {  	_ =	swait.ge [sflag:s22], s20  }
0xa5: {  	s4 =	ssub.s32 $0x0, s20;
	[sflag:s22] =	ssyncset.done $0x0  }
0xa6: {  	[sflag:s22] =	ssyncadd.s32 s4;
	_ =	sdelay $0x1  }
0xa7: {  	s23 =	simm.s32 $0x1B8B  }
0xa8: {  	_ =	swait.ge [sflag:s23], $0x1  }
0xa9: {  	[sflag:s23] =	ssyncset.done $0x0  }
0xaa: {  	s25 =	simm.s32 $0x1B8E;
	s24 =	sld [smem:$0x3FFE];
	[sflag:s23] =	ssyncadd.s32 $0xFFFFFFFF  }
0xab: {  	s26 =	simm.s32 $execute0_lowered;
	[smem:$0x3FD2] =	sst s25  }
0xac: {  	s5 =	sshll.u32 s26, $0x1;
	_ =	strace $0x80000046;
	[dreg:$0x1] =	wrdreg $0xFFFFFFFF  }
0xad: {  	s28 =	simm.s32 $_size_execute0_lowered;
	s3 =	sadd.s32 s3, s5;
	[dreg:$0x0] =	wrdreg $0x0  }
0xae: {  	s5 =	sshll.u32 s28, $0x1;
	[dreg:$0x2] =	wrdreg s3  }
0xaf: {  	[dreg:$0x3] =	wrdreg s5  }
0xb0: {  	[dreg:$0x4] =	wrdreg $0xC0  }
0xb1: {  	_ =	task [dreg:s7], $0x5FFFF  }
0xb2: {  	[dreg:$0x1] =	wrdreg $0xFFFFFFFF  }
0xb3: {  	[dreg:$0x0] =	wrdreg $0x60  }
0xb4: {  	[dreg:$0x2] =	wrdreg s24  }
0xb5: {  	[dreg:$0x3] =	wrdreg s16  }
0xb6: {  	[dreg:$0x4] =	wrdreg $0x9  }
0xb7: {  	_ =	task.clear_ibuf [dreg:s7], $0x5FFFF;
	_ =	strace $0x90000046  }
0xb8: {  	s29 =	simm.s32 $0x9;
	_ =	strace $0x80000048  }
0xb9: {  	_ =	swait.ge [sflag:s29], $0x1  }
0xba: {  	[sflag:s29] =	ssyncadd.s32 $0xFFFFFFFF  }
0xbb: {  	_ =	strace $0x90000048  }
0xbc: {  	_ =	sfence  }
0xbd: {  	s30 =	sld [smem:$0x0];
	_ =	sdelay $0x2  }
0xbe: {  	s31 =	sshll.u32 s1, $0xD;
	s1 =	sshrl.u32 s1, $0x2  }
0xbf: {  	s3 =	sand.u32 $0x4000, s31;
	s1 =	sadd.s32 s1, s30  }
0xc0: {  	s0 =	sor.u32 s3, s0;
	s1 =	sshll.u32 s1, $0x11  }
0xc1: {  	s0 =	sor.u32 s1, s0  }
0xc2: {  	s0 =	sadd.s32 $0x8F2B, s0  }
0xc3: {  	[sflag:s0] =	ssyncadd.remote.s32 $0x1  }
0xc4: {  	_ =	sfence.sel $0xFFFF  }
0xc5: {  	[dreg:$0x0] =	wrdreg $0xFFFFFFFF;
	(pc) =	sbr.abs _section_cstart, $3  }
0xc6: {  	[dreg:$0x1] =	wrdreg $0xFFFFFFFF  }
0xc7: {  	_ =	task.clear_ibuf [dreg:s7], $0x2FFFF;
	_ =	strace $0x9FFFFFFF  }
0xc8: {  	(tm) =	ssettm $0x7FFFFFFF  }
0xc9: {  	_ =	shalt  }
tec
execute0_lowered:
.L_overlay_start_1:
0x0: {  	(tag) =	ssettag $0x1  }
0x1: {  	s1 =	srdreg.scid  }
0x2: {  	s4 =	rddreg [dreg:$0x0];
	s0 =	stileid.u32  }
0x3: {  	s2 =	rddreg [dreg:$0x1];
	s8 =	simm.s32 $0x1000;
	s5 =	sand.u32 $0x1, s1  }
0x4: {  	s9 =	simm.s32 $0x1;
	s3 =	sshll.u32 s0, $0xD;
	s6 =	sshll.u32 s5, $0xC  }
0x5: {  	s10 =	simm.s32 $0x0;
	s1 =	rddreg [dreg:$0x2];
	s6 =	sor.u32 s6, s3  }
0x6: {  	s5 =	ssub.s32 $0x2, s5;
	s3 =	simm.s32 $0x0;
	s7 =	sshrl.u32 s6, $0x3  }
0x7: {  	s31 =	sshrl.u32 s5, $0x1;
	[smem:$0x7FF] =	sst s3;
	s4 =	sadd.s32 s7, s4  }
0x8: {  	_ =	strace $0x80000047;
	s7 =	ssub.s32 s5, s31;
	s5 =	sshll.u32 s6, $0x2  }
0x9: {  	v0 =	vimm.f32 $0.0e+00;
	s4 =	sadd.s32 $0x800, s4;
	s6 =	smax.u32 s7, $0x1;
	s7 =	simm.s32 $0x2  }
.LBB2_1:
0xa: {  	[tilespmem:s3], [sflag:$0x2] =	stream.linear.gather [hbm4b:s4+s3], $0x1000, $0x38;
	[tilespmem:$0x5000] =	vst v63  }
0xb: {  	_ =	swait.ge [sflag:s7], $0x1000  }
0xc: {  	s14 =	simm.s32 $0x0;
	s12 =	simm.s32 $0x10;
	[sflag:s7] =	ssyncset.done $0x0  }
0xd: {  	s13 =	simm.s32 $0x0;
	s11 =	simm.s32 $0x0;
	[sflag:s7] =	ssyncadd.s32 $0xFFFFF000  }
.LBB2_2:
0xe: {  	p0 =	sne.s32 s12, $0xFF0;
	v1 =	vld [tilespmem:s14+$0x0];
	_ =	sdelay $0x4  }
0xf: {  	v1 =	vmin.f32 v1, $3.000000000e+00  }
0x10: {  	s14 =	sand.u32 $0x70, s13;
	s15 =	sand.u32 $0x3E00, s11;
	s13 =	smov.u32 s12;
	vm0 =	veq.f32 v1, $0.0e+00;
	vm1 =	veq.f32 v1, $1.000000000e+00;
	vm2 =	veq.f32 v1, $2.000000000e+00  }
.Ltmp0:
0x11: {  	s15 =	sor.u32 s14, s15;
	v2 =	vsel vm0, $0x3F800000, v0;
	v3 =	vsel vm1, $0x3F800000, v0;
	v4 =	vsel vm2, $0x3F800000, v0;
	(pc) =	sbr.rel @p0 .LBB2_2-.Ltmp0, $4  }
0x12: {  	vm0 =	veq.f32 v1, $3.000000000e+00;
	[tilespmem:s15+$0x1000] =	vst v2  }
0x13: {  	v1 =	vsel vm0, $0x3F800000, v0;
	[tilespmem:s15+$0x1080] =	vst v3  }
0x14: {  	s11 =	sadd.s32 $0x40, s11;
	[tilespmem:s15+$0x1100] =	vst v4  }
0x15: {  	s12 =	sadd.s32 $0x10, s12;
	s14 =	sshra.s32 s11, $0x2;
	[tilespmem:s15+$0x1180] =	vst v1  }
0x16: {  	v1 =	vld [tilespmem:s14+$0x0];
	_ =	sdelay $0x4  }
0x17: {  	v1 =	vmin.f32 v1, $3.000000000e+00  }
0x18: {  	s12 =	sand.u32 $0x70, s13;
	s11 =	sand.u32 $0x3E00, s11;
	vm0 =	veq.f32 v1, $0.0e+00  }
0x19: {  	s11 =	sor.u32 s12, s11;
	vm1 =	veq.f32 v1, $1.000000000e+00;
	v2 =	vsel vm0, $0x3F800000, v0  }
0x1a: {  	p0 =	por $0x0, $0x0;
	s12 =	simm.s32 $0xFFFFFFF6;
	vm15 =	veq.f32 v1, $3.000000000e+00;
	v3 =	vsel vm1, $0x3F800000, v0;
	[tilespmem:s11+$0x1000] =	vst v2  }
0x1b: {  	s12 =	simm.s32 @!p0 $0x0;
	vm14 =	veq.f32 v1, $2.000000000e+00;
	v1 =	vsel vm15, $0x3F800000, v0;
	[tilespmem:s11+$0x1080] =	vst v3  }
0x1c: {  	s31 =	sadd.s32 $0x0, s12;
	s12 =	simm.s32 $0x500000;
	v2 =	vsel vm14, $0x3F800000, v0;
	[tilespmem:s11+$0x1180] =	vst v1  }
0x1d: {  	s12 =	simm.s32 @!p0 $0x0;
	s13 =	sshll.u32 s31, $0x13;
	[tilespmem:s11+$0x1100] =	vst v2;
	s11 =	simm.s32 $0x1  }
.LBB2_4:
0x1e: {  	p0 =	sgt.u32 s11, $0x9  }
0x1f: {  	s12 =	sadd.s32 s12, s13;
	s13 =	smov.u32 s11;
	s14 =	simm.s32 $0xFFFFFFF6  }
0x20: {  	p1 =	sne.s32 s11, $0x13;
	s14 =	simm.s32 @!p0 $0x0;
	s12 =	sor.u32 s5, s12  }
.Ltmp1:
0x21: {  	s11 =	sadd.s32 $0x1, s11;
	s12 =	sshrl.u32 s12, $0x3;
	(pc) =	sbr.rel @p1 .LBB2_4-.Ltmp1, $4  }
0x22: {  	s13 =	sadd.s32 s13, s14;
	s12 =	sadd.s32 s2, s12  }
0x23: {  	[hbm4b:s12+s3] =	stream.linear.scatter [tilespmem:s8], [sflag:$0x1], $0x4000, $0x38;
	[tilespmem:$0x5000] =	vst v63  }
0x24: {  	s12 =	simm.s32 $0x500000  }
0x25: {  	s13 =	sshll.u32 s13, $0x13;
	s12 =	simm.s32 @!p0 $0x0  }
0x26: {  	s11 =	sadd.s32 s12, s13  }
0x27: {  	s11 =	sor.u32 s5, s11  }
0x28: {  	s11 =	sshrl.u32 s11, $0x3  }
0x29: {  	s11 =	sadd.s32 s2, s11  }
0x2a: {  	[hbm4b:s11+s3] =	stream.linear.scatter [tilespmem:s8], [sflag:$0x1], $0x4000, $0x38;
	[tilespmem:$0x5000] =	vst v63  }
0x2b: {  	_ =	swait.ge [sflag:s9], $0x4000  }
0x2c: {  	[sflag:s9] =	ssyncset.done $0x0  }
0x2d: {  	[sflag:s9] =	ssyncadd.s32 $0xFFFFC000  }
0x2e: {  	_ =	swait.ge [sflag:s9], $0x4000  }
0x2f: {  	[sflag:s9] =	ssyncset.done $0x0  }
0x30: {  	[sflag:s9] =	ssyncadd.s32 $0xFFFFC000  }
0x31: {  	_ =	swait.ge [sflag:s9], $0x4000  }
0x32: {  	[sflag:s9] =	ssyncset.done $0x0  }
0x33: {  	[sflag:s9] =	ssyncadd.s32 $0xFFFFC000  }
0x34: {  	_ =	swait.ge [sflag:s9], $0x4000  }
0x35: {  	[sflag:s9] =	ssyncset.done $0x0  }
0x36: {  	[sflag:s9] =	ssyncadd.s32 $0xFFFFC000  }
0x37: {  	_ =	swait.ge [sflag:s9], $0x4000  }
0x38: {  	[sflag:s9] =	ssyncset.done $0x0  }
0x39: {  	[sflag:s9] =	ssyncadd.s32 $0xFFFFC000  }
0x3a: {  	_ =	swait.ge [sflag:s9], $0x4000  }
0x3b: {  	[sflag:s9] =	ssyncset.done $0x0  }
0x3c: {  	[sflag:s9] =	ssyncadd.s32 $0xFFFFC000  }
0x3d: {  	_ =	swait.ge [sflag:s9], $0x4000  }
0x3e: {  	[sflag:s9] =	ssyncset.done $0x0  }
0x3f: {  	[sflag:s9] =	ssyncadd.s32 $0xFFFFC000  }
0x40: {  	_ =	swait.ge [sflag:s9], $0x4000  }
0x41: {  	[sflag:s9] =	ssyncset.done $0x0  }
0x42: {  	[sflag:s9] =	ssyncadd.s32 $0xFFFFC000  }
0x43: {  	_ =	swait.ge [sflag:s9], $0x4000  }
0x44: {  	[sflag:s9] =	ssyncset.done $0x0  }
0x45: {  	[sflag:s9] =	ssyncadd.s32 $0xFFFFC000  }
0x46: {  	_ =	swait.ge [sflag:s9], $0x4000  }
0x47: {  	[sflag:s9] =	ssyncset.done $0x0  }
0x48: {  	[sflag:s9] =	ssyncadd.s32 $0xFFFFC000  }
0x49: {  	_ =	swait.ge [sflag:s9], $0x4000  }
0x4a: {  	[sflag:s9] =	ssyncset.done $0x0  }
0x4b: {  	[sflag:s9] =	ssyncadd.s32 $0xFFFFC000  }
0x4c: {  	_ =	swait.ge [sflag:s9], $0x4000  }
0x4d: {  	[sflag:s9] =	ssyncset.done $0x0  }
0x4e: {  	[sflag:s9] =	ssyncadd.s32 $0xFFFFC000  }
0x4f: {  	_ =	swait.ge [sflag:s9], $0x4000  }
0x50: {  	[sflag:s9] =	ssyncset.done $0x0  }
0x51: {  	[sflag:s9] =	ssyncadd.s32 $0xFFFFC000  }
0x52: {  	_ =	swait.ge [sflag:s9], $0x4000  }
0x53: {  	[sflag:s9] =	ssyncset.done $0x0  }
0x54: {  	[sflag:s9] =	ssyncadd.s32 $0xFFFFC000  }
0x55: {  	_ =	swait.ge [sflag:s9], $0x4000  }
0x56: {  	[sflag:s9] =	ssyncset.done $0x0  }
0x57: {  	[sflag:s9] =	ssyncadd.s32 $0xFFFFC000  }
0x58: {  	_ =	swait.ge [sflag:s9], $0x4000  }
0x59: {  	[sflag:s9] =	ssyncset.done $0x0  }
0x5a: {  	[sflag:s9] =	ssyncadd.s32 $0xFFFFC000  }
0x5b: {  	_ =	swait.ge [sflag:s9], $0x4000  }
0x5c: {  	[sflag:s9] =	ssyncset.done $0x0  }
0x5d: {  	[sflag:s9] =	ssyncadd.s32 $0xFFFFC000  }
0x5e: {  	_ =	swait.ge [sflag:s9], $0x4000  }
0x5f: {  	[sflag:s9] =	ssyncset.done $0x0  }
0x60: {  	s10 =	sadd.s32 $0x1, s10;
	[sflag:s9] =	ssyncadd.s32 $0xFFFFC000  }
0x61: {  	p0 =	sne.s32 s10, s6;
	_ =	swait.ge [sflag:s9], $0x4000  }
.Ltmp2:
0x62: {  	[sflag:s9] =	ssyncset.done $0x0;
	(pc) =	sbr.rel @p0 .LBB2_1-.Ltmp2, $4  }
0x63: {  	[sflag:s9] =	ssyncadd.s32 $0xFFFFC000  }
0x64: {  	_ =	swait.ge [sflag:s9], $0x4000  }
0x65: {  	[sflag:s9] =	ssyncset.done $0x0  }
0x66: {  	[sflag:s9] =	ssyncadd.s32 $0xFFFFC000  }
0x67: {  	_ =	sfence.sel $0x180000  }
0x68: {  	[bflag:$0x0] =	sbarrier.arrive $0xFFFF  }
0x69: {  	p0 =	sne.s32 s0, $0x0;
	_ =	strace $0x90000047  }
0x6a: {  	s0 =	sadd.s32 @!p0 $0x100000, s1;
	[bflag:$0x2] =	sbarrier.arrive $0xFFFF  }
0x6b: {  	[sflag:s0] =	ssyncadd.tile.s32 @!p0 $0x1;
	_ =	shalt  }
.Lfunc_end2:
_tile_overlayer_lowered:
.L_overlay_start_2:
0x6c: {  	(tag) =	ssettag $0x2  }
0x6d: {  	s0 =	rddreg [dreg:$0x0];
	s2 =	stileid.u32  }
0x6e: {  	s1 =	rddreg [dreg:$0x1];
	p0 =	sne.s32 s2, $0x0  }
0x6f: {  	s3 =	rddreg [dreg:$0x2];
	[bflag:$0x3] =	sbarrier.arrive $0xFFFF;
	s2 =	simm.s32 @!p0 $0x1C02  }
0x70: {  	[timem:s3], [sflag:s2] =	dma.local @!p0 [hbm:s0], s1  }
0x71: {  	s0 =	simm.s32 @!p0 $0x2  }
0x72: {  	_ =	swait.ge @!p0 [sflag:s0], s1  }
0x73: {  	s1 =	ssub.s32 @!p0 $0x0, s1;
	[sflag:s0] =	ssyncset.done @!p0 $0x0  }
0x74: {  	[sflag:s0] =	ssyncadd.s32 @!p0 s1  }
0x75: {  	[bflag:$0x3] =	sbarrier.arrive $0xFFFF  }
0x76: {  	_ =	shalt  }

</sc_bundles>
